<compile_context>
chip_gen: v7x
topology: tpu7x:2x2x1
jax: 0.10.2.dev20260603
libtpu: 0.0.44.dev20260713+nightly
codegen_flags: <defaults>
</compile_context>

<pallas_src>
import math

import jax
import jax.numpy as jnp
from jax import lax
from jax.experimental import pallas as pl
from jax.experimental.pallas import tpu as pltpu
from jax.experimental.pallas import tpu_sc as plsc

D_MODEL = 64
VOCAB = 1000000
BATCH = 4096
SEQ = 200
SCALE = math.sqrt(D_MODEL)

NC = 2
NS = 16
NW = NC * NS

ROWS_PER_W = BATCH // NW
CHUNK_ROWS = 2
N_CHUNKS = ROWS_PER_W // CHUNK_ROWS
SEQ_SPLITS = ((0, 128), (128, 72))


def _sc_body(x_hbm, table_hbm, out_hbm, idx_v, rows_v, s_g0, s_g1, s_o0, s_o1):
    s_g = (s_g0, s_g1)
    s_o = (s_o0, s_o1)
    wid = lax.axis_index("s") * NC + lax.axis_index("c")
    row_base = wid * ROWS_PER_W

    def fire_gathers(c, b):
        for r in range(CHUNK_ROWS):
            for off, n in SEQ_SPLITS:
                pltpu.async_copy(
                    table_hbm.at[idx_v.at[c * CHUNK_ROWS + r, pl.ds(off, n)]],
                    rows_v.at[b, r, pl.ds(off, n)],
                    s_g[b],
                )

    def wait_gathers(b):
        for r in range(CHUNK_ROWS):
            for off, n in SEQ_SPLITS:
                pltpu.make_async_copy(
                    table_hbm.at[idx_v.at[r, pl.ds(off, n)]],
                    rows_v.at[b, r, pl.ds(off, n)],
                    s_g[b],
                ).wait()

    def wait_store(b):
        pltpu.make_async_copy(
            rows_v.at[b], out_hbm.at[pl.ds(row_base, CHUNK_ROWS)], s_o[b]
        ).wait()

    pltpu.sync_copy(x_hbm.at[pl.ds(row_base, ROWS_PER_W)], idx_v)
    fire_gathers(0, 0)

    def step(c, b):
        @pl.when(c + 1 < N_CHUNKS)
        def _fire_next():
            nb = 1 - b
            @pl.when(c >= 1)
            def _drain_prev_store():
                wait_store(nb)

            fire_gathers(c + 1, nb)

        wait_gathers(b)

        for r in range(CHUNK_ROWS):
            @plsc.parallel_loop(0, SEQ, unroll=8)
            def _scale(s):
                for col in range(D_MODEL // 16):
                    sl = pl.ds(col * 16, 16)
                    rows_v[b, r, s, sl] = rows_v[b, r, s, sl] * SCALE

        pltpu.async_copy(
            rows_v.at[b],
            out_hbm.at[pl.ds(row_base + c * CHUNK_ROWS, CHUNK_ROWS)],
            s_o[b],
        )

    def pair(i, carry):
        step(i * 2, 0)
        step(i * 2 + 1, 1)
        return carry

    lax.fori_loop(0, N_CHUNKS // 2, pair, 0)
    wait_store(0)
    wait_store(1)


@jax.jit
def _embed(x, lut_weight):
    mesh = plsc.VectorSubcoreMesh(core_axis_name="c", subcore_axis_name="s")
    return pl.kernel(
        _sc_body,
        out_type=jax.ShapeDtypeStruct((BATCH, SEQ, D_MODEL), jnp.float32),
        mesh=mesh,
        scratch_types=[
            pltpu.VMEM((ROWS_PER_W, SEQ), jnp.int32),
            pltpu.VMEM((2, CHUNK_ROWS, SEQ, D_MODEL), jnp.float32),
            pltpu.SemaphoreType.DMA,
            pltpu.SemaphoreType.DMA,
            pltpu.SemaphoreType.DMA,
            pltpu.SemaphoreType.DMA,
        ],
        compiler_params=pltpu.CompilerParams(use_tc_tiling_on_sc=False),
    )(x, lut_weight)


def kernel(x, lut_weight):
    return _embed(x, lut_weight)

# --- scband reference (transcript-rebuilt; emitter-appended) ---
"""Pipeline reference for scband-embeddings-p-38577396253168 (READ-ONLY COPY).

The authoritative reference and input builder live on the scoring server;
editing this copy changes nothing except your own understanding.
"""

import jax, jax.numpy as jnp
import numpy as np
import math

D_MODEL = 64
VOCAB = 1000000
BATCH = 4096
SEQ = 200

def setup_inputs(seed: int = 0) -> dict:
    key = jax.random.key(seed)
    k_idx, k_tab = jax.random.split(key)
    x = jax.random.randint(k_idx, (BATCH, SEQ), 0, VOCAB, dtype=jnp.int64) if jax.config.jax_enable_x64 else jax.random.randint(k_idx, (BATCH, SEQ), 0, VOCAB, dtype=jnp.int32)
    lut_weight = jax.random.normal(k_tab, (VOCAB, D_MODEL), dtype=jnp.float32)
    return {"x": x, "lut_weight": lut_weight}

def reference(x, lut_weight):
    # Faithful to EmbeddingsP.forward: embedding lookup scaled by sqrt(d_model)
    emb = jnp.take(lut_weight, x, axis=0)
    return emb * math.sqrt(D_MODEL)

if __name__ == "__main__":
    import jax
    _d = setup_inputs()
    print(jax.jit(kernel)(*tuple(_d.values())))

</pallas_src>

<mosaic_0001>
#map = affine_map<(d0, d1) -> (0, 0)>
#map1 = affine_map<(d0, d1) -> (0, 0, 0)>
module attributes {stable_mosaic.version = 14 : i64} {
  func.func @_sc_body(%arg0: i32, %arg1: i32, %arg2: memref<4096x200xi32, #tpu.memory_space<hbm>>, %arg3: memref<1000000x64xf32, #tpu.memory_space<hbm>>, %arg4: memref<4096x200x64xf32, #tpu.memory_space<hbm>>, %arg5: memref<128x200xi32, #tpu.memory_space<vmem>>, %arg6: memref<2x2x200x64xf32, #tpu.memory_space<vmem>>, %arg7: memref<!tpu.dma_semaphore, #tpu.memory_space<semaphore_mem>>, %arg8: memref<!tpu.dma_semaphore, #tpu.memory_space<semaphore_mem>>, %arg9: memref<!tpu.dma_semaphore, #tpu.memory_space<semaphore_mem>>, %arg10: memref<!tpu.dma_semaphore, #tpu.memory_space<semaphore_mem>>) attributes {dimension_semantics = [#tpu.dimension_semantics<core_parallel>, #tpu.dimension_semantics<subcore_parallel>], iteration_bounds = array<i64: 2, 16>, scalar_prefetch = 0 : i64, scratch_operands = 6 : i64, tpu.core_type = #tpu.core_type<sc_vector_subcore>, window_params = [{transform_indices = #map}, {transform_indices = #map}, {transform_indices = #map1}]} {
    %mul3A = arith.constant 2 : i32
    %mul3A_0 = arith.muli %arg1, %mul3A : i32
    %add3A = arith.addi %mul3A_0, %arg0 : i32
    %mul3A_1 = arith.constant 128 : i32
    %mul3A_2 = arith.muli %add3A, %mul3A_1 : i32
    "tpu.region"() ({
      %run_scoped3A = tpu.sem_alloc : memref<!tpu.dma_semaphore, #tpu.memory_space<semaphore_mem>>
      %dma_start3A_92 = arith.constant 0 : i32
      %dma_start3A_93 = tpu.memref_slice %arg2[%mul3A_2, %dma_start3A_92] : memref<4096x200xi32, #tpu.memory_space<hbm>> -> memref<128x200xi32, #tpu.memory_space<hbm>>
      %dma_start3A_94 = arith.constant 0 : i32
      %dma_start3A_95 = tpu.memref_slice %arg2[%mul3A_2, %dma_start3A_94] : memref<4096x200xi32, #tpu.memory_space<hbm>> -> memref<128x200xi32, #tpu.memory_space<hbm>>
      tpu.enqueue_dma source(%dma_start3A_95 : memref<128x200xi32, #tpu.memory_space<hbm>>) target(%arg5 : memref<128x200xi32, #tpu.memory_space<vmem>>) target_semaphore(%run_scoped3A : memref<!tpu.dma_semaphore, #tpu.memory_space<semaphore_mem>>)
      %dma_wait3A_96 = arith.constant 0 : i32
      %dma_wait3A_97 = tpu.memref_slice %arg2[%mul3A_2, %dma_wait3A_96] : memref<4096x200xi32, #tpu.memory_space<hbm>> -> memref<128x200xi32, #tpu.memory_space<hbm>>
      %dma_wait3A_98 = arith.constant 0 : i32
      %dma_wait3A_99 = tpu.memref_slice %arg2[%mul3A_2, %dma_wait3A_98] : memref<4096x200xi32, #tpu.memory_space<hbm>> -> memref<128x200xi32, #tpu.memory_space<hbm>>
      tpu.wait_dma2 semaphore(%run_scoped3A : memref<!tpu.dma_semaphore, #tpu.memory_space<semaphore_mem>>) src(%dma_wait3A_99 : memref<128x200xi32, #tpu.memory_space<hbm>>) dst(%arg5 : memref<128x200xi32, #tpu.memory_space<vmem>>)
      tpu.yield
    }) : () -> ()
    %dma_start3A = arith.constant 0 : i32
    %dma_start3A_3 = arith.constant 0 : i32
    %dma_start3A_4 = arith.constant 0 : i32
    %dma_start3A_5 = arith.constant 0 : i32
    %dma_start3A_6 = arith.constant 0 : i32
    %dma_start3A_7 = tpu.memref_slice %arg6[%dma_start3A_3, %dma_start3A_4, %dma_start3A_5, %dma_start3A_6] : memref<2x2x200x64xf32, #tpu.memory_space<vmem>> -> memref<1x1x128x64xf32, #tpu.memory_space<vmem>>
    %dma_start3A_8 = tpu.memref_squeeze %dma_start3A_7 : memref<1x1x128x64xf32, #tpu.memory_space<vmem>> -> memref<128x64xf32, #tpu.memory_space<vmem>>
    %dma_start3A_9 = arith.constant 0 : i32
    %dma_start3A_10 = tpu.memref_slice %arg5[%dma_start3A, %dma_start3A_9] : memref<128x200xi32, #tpu.memory_space<vmem>> -> memref<1x128xi32, #tpu.memory_space<vmem>>
    %dma_start3A_11 = tpu.memref_squeeze %dma_start3A_10 : memref<1x128xi32, #tpu.memory_space<vmem>> -> memref<128xi32, #tpu.memory_space<vmem>>
    %dma_start3A_12 = arith.constant 0 : i32
    %dma_start3A_13 = arith.constant 0 : i32
    %dma_start3A_14 = tpu.memref_slice %arg3[%dma_start3A_12, %dma_start3A_13] : memref<1000000x64xf32, #tpu.memory_space<hbm>> -> memref<1000000x64xf32, #tpu.memory_space<hbm>>
    tpu.enqueue_indirect_dma source(%dma_start3A_14 : memref<1000000x64xf32, #tpu.memory_space<hbm>>) target(%dma_start3A_8 : memref<128x64xf32, #tpu.memory_space<vmem>>) offsets(%dma_start3A_11 : memref<128xi32, #tpu.memory_space<vmem>>) semaphore(%arg7 : memref<!tpu.dma_semaphore, #tpu.memory_space<semaphore_mem>>)
    %dma_start3A_15 = arith.constant 0 : i32
    %dma_start3A_16 = arith.constant 0 : i32
    %dma_start3A_17 = arith.constant 0 : i32
    %dma_start3A_18 = arith.constant 128 : i32
    %dma_start3A_19 = arith.constant 0 : i32
    %dma_start3A_20 = tpu.memref_slice %arg6[%dma_start3A_16, %dma_start3A_17, %dma_start3A_18, %dma_start3A_19] : memref<2x2x200x64xf32, #tpu.memory_space<vmem>> -> memref<1x1x72x64xf32, #tpu.memory_space<vmem>>
    %dma_start3A_21 = tpu.memref_squeeze %dma_start3A_20 : memref<1x1x72x64xf32, #tpu.memory_space<vmem>> -> memref<72x64xf32, #tpu.memory_space<vmem>>
    %dma_start3A_22 = arith.constant 128 : i32
    %dma_start3A_23 = tpu.memref_slice %arg5[%dma_start3A_15, %dma_start3A_22] : memref<128x200xi32, #tpu.memory_space<vmem>> -> memref<1x72xi32, #tpu.memory_space<vmem>>
    %dma_start3A_24 = tpu.memref_squeeze %dma_start3A_23 : memref<1x72xi32, #tpu.memory_space<vmem>> -> memref<72xi32, #tpu.memory_space<vmem>>
    %dma_start3A_25 = arith.constant 0 : i32
    %dma_start3A_26 = arith.constant 0 : i32
    %dma_start3A_27 = tpu.memref_slice %arg3[%dma_start3A_25, %dma_start3A_26] : memref<1000000x64xf32, #tpu.memory_space<hbm>> -> memref<1000000x64xf32, #tpu.memory_space<hbm>>
    tpu.enqueue_indirect_dma source(%dma_start3A_27 : memref<1000000x64xf32, #tpu.memory_space<hbm>>) target(%dma_start3A_21 : memref<72x64xf32, #tpu.memory_space<vmem>>) offsets(%dma_start3A_24 : memref<72xi32, #tpu.memory_space<vmem>>) semaphore(%arg7 : memref<!tpu.dma_semaphore, #tpu.memory_space<semaphore_mem>>)
    %dma_start3A_28 = arith.constant 1 : i32
    %dma_start3A_29 = arith.constant 0 : i32
    %dma_start3A_30 = arith.constant 1 : i32
    %dma_start3A_31 = arith.constant 0 : i32
    %dma_start3A_32 = arith.constant 0 : i32
    %dma_start3A_33 = tpu.memref_slice %arg6[%dma_start3A_29, %dma_start3A_30, %dma_start3A_31, %dma_start3A_32] : memref<2x2x200x64xf32, #tpu.memory_space<vmem>> -> memref<1x1x128x64xf32, #tpu.memory_space<vmem>>
    %dma_start3A_34 = tpu.memref_squeeze %dma_start3A_33 : memref<1x1x128x64xf32, #tpu.memory_space<vmem>> -> memref<128x64xf32, #tpu.memory_space<vmem>>
    %dma_start3A_35 = arith.constant 0 : i32
    %dma_start3A_36 = tpu.memref_slice %arg5[%dma_start3A_28, %dma_start3A_35] : memref<128x200xi32, #tpu.memory_space<vmem>> -> memref<1x128xi32, #tpu.memory_space<vmem>>
    %dma_start3A_37 = tpu.memref_squeeze %dma_start3A_36 : memref<1x128xi32, #tpu.memory_space<vmem>> -> memref<128xi32, #tpu.memory_space<vmem>>
    %dma_start3A_38 = arith.constant 0 : i32
    %dma_start3A_39 = arith.constant 0 : i32
    %dma_start3A_40 = tpu.memref_slice %arg3[%dma_start3A_38, %dma_start3A_39] : memref<1000000x64xf32, #tpu.memory_space<hbm>> -> memref<1000000x64xf32, #tpu.memory_space<hbm>>
    tpu.enqueue_indirect_dma source(%dma_start3A_40 : memref<1000000x64xf32, #tpu.memory_space<hbm>>) target(%dma_start3A_34 : memref<128x64xf32, #tpu.memory_space<vmem>>) offsets(%dma_start3A_37 : memref<128xi32, #tpu.memory_space<vmem>>) semaphore(%arg7 : memref<!tpu.dma_semaphore, #tpu.memory_space<semaphore_mem>>)
    %dma_start3A_41 = arith.constant 1 : i32
    %dma_start3A_42 = arith.constant 0 : i32
    %dma_start3A_43 = arith.constant 1 : i32
    %dma_start3A_44 = arith.constant 128 : i32
    %dma_start3A_45 = arith.constant 0 : i32
    %dma_start3A_46 = tpu.memref_slice %arg6[%dma_start3A_42, %dma_start3A_43, %dma_start3A_44, %dma_start3A_45] : memref<2x2x200x64xf32, #tpu.memory_space<vmem>> -> memref<1x1x72x64xf32, #tpu.memory_space<vmem>>
    %dma_start3A_47 = tpu.memref_squeeze %dma_start3A_46 : memref<1x1x72x64xf32, #tpu.memory_space<vmem>> -> memref<72x64xf32, #tpu.memory_space<vmem>>
    %dma_start3A_48 = arith.constant 128 : i32
    %dma_start3A_49 = tpu.memref_slice %arg5[%dma_start3A_41, %dma_start3A_48] : memref<128x200xi32, #tpu.memory_space<vmem>> -> memref<1x72xi32, #tpu.memory_space<vmem>>
    %dma_start3A_50 = tpu.memref_squeeze %dma_start3A_49 : memref<1x72xi32, #tpu.memory_space<vmem>> -> memref<72xi32, #tpu.memory_space<vmem>>
    %dma_start3A_51 = arith.constant 0 : i32
    %dma_start3A_52 = arith.constant 0 : i32
    %dma_start3A_53 = tpu.memref_slice %arg3[%dma_start3A_51, %dma_start3A_52] : memref<1000000x64xf32, #tpu.memory_space<hbm>> -> memref<1000000x64xf32, #tpu.memory_space<hbm>>
    tpu.enqueue_indirect_dma source(%dma_start3A_53 : memref<1000000x64xf32, #tpu.memory_space<hbm>>) target(%dma_start3A_47 : memref<72x64xf32, #tpu.memory_space<vmem>>) offsets(%dma_start3A_50 : memref<72xi32, #tpu.memory_space<vmem>>) semaphore(%arg7 : memref<!tpu.dma_semaphore, #tpu.memory_space<semaphore_mem>>)
    %scan3A = arith.constant 0 : i32
    %scan3A_54 = arith.constant 0 : i32
    %scan3A_55 = arith.constant 32 : i32
    %scan3A_56 = arith.addi %scan3A_54, %scan3A_55 : i32
    %scan3A_57 = arith.constant 1 : i32
    scf.for %scan3A_92 = %scan3A_54 to %scan3A_56 step %scan3A_57  : i32 {
      %mul3A_93 = arith.constant 2 : i32
      %mul3A_94 = arith.muli %scan3A_92, %mul3A_93 : i32
      %add3A_95 = arith.constant 1 : i32
      %add3A_96 = arith.addi %mul3A_94, %add3A_95 : i32
      %lt3A = arith.constant 64 : i32
      %lt3A_97 = arith.cmpi slt, %add3A_96, %lt3A : i32
      %convert_element_type3A = arith.extui %lt3A_97 : i1 to i32
      %cond3A = arith.constant 0 : i32
      %cond3A_98 = arith.cmpi ne, %convert_element_type3A, %cond3A : i32
      scf.if %cond3A_98 {
        %ge3A = arith.constant 1 : i32
        %ge3A_265 = arith.cmpi sge, %mul3A_94, %ge3A : i32
        %convert_element_type3A_266 = arith.extui %ge3A_265 : i1 to i32
        %cond3A_267 = arith.constant 0 : i32
        %cond3A_268 = arith.cmpi ne, %convert_element_type3A_266, %cond3A_267 : i32
        scf.if %cond3A_268 {
          %dma_wait3A_335 = arith.constant 1 : i32
          %dma_wait3A_336 = arith.constant 0 : i32
          %dma_wait3A_337 = arith.constant 0 : i32
          %dma_wait3A_338 = arith.constant 0 : i32
          %dma_wait3A_339 = tpu.memref_slice %arg6[%dma_wait3A_335, %dma_wait3A_336, %dma_wait3A_337, %dma_wait3A_338] : memref<2x2x200x64xf32, #tpu.memory_space<vmem>> -> memref<1x2x200x64xf32, #tpu.memory_space<vmem>>
          %dma_wait3A_340 = tpu.memref_squeeze %dma_wait3A_339 : memref<1x2x200x64xf32, #tpu.memory_space<vmem>> -> memref<2x200x64xf32, #tpu.memory_space<vmem>>
          %dma_wait3A_341 = arith.constant 0 : i32
          %dma_wait3A_342 = arith.constant 0 : i32
          %dma_wait3A_343 = tpu.memref_slice %arg4[%mul3A_2, %dma_wait3A_341, %dma_wait3A_342] : memref<4096x200x64xf32, #tpu.memory_space<hbm>> -> memref<2x200x64xf32, #tpu.memory_space<hbm>>
          %dma_wait3A_344 = arith.constant 0 : i32
          %dma_wait3A_345 = arith.constant 0 : i32
          %dma_wait3A_346 = tpu.memref_slice %arg4[%mul3A_2, %dma_wait3A_344, %dma_wait3A_345] : memref<4096x200x64xf32, #tpu.memory_space<hbm>> -> memref<2x200x64xf32, #tpu.memory_space<hbm>>
          %dma_wait3A_347 = arith.constant 0 : i32
          %dma_wait3A_348 = arith.constant 0 : i32
          %dma_wait3A_349 = arith.constant 0 : i32
          %dma_wait3A_350 = tpu.memref_slice %arg6[%dma_wait3A_335, %dma_wait3A_347, %dma_wait3A_348, %dma_wait3A_349] : memref<2x2x200x64xf32, #tpu.memory_space<vmem>> -> memref<1x2x200x64xf32, #tpu.memory_space<vmem>>
          %dma_wait3A_351 = tpu.memref_squeeze %dma_wait3A_350 : memref<1x2x200x64xf32, #tpu.memory_space<vmem>> -> memref<2x200x64xf32, #tpu.memory_space<vmem>>
          tpu.wait_dma2 semaphore(%arg10 : memref<!tpu.dma_semaphore, #tpu.memory_space<semaphore_mem>>) src(%dma_wait3A_351 : memref<2x200x64xf32, #tpu.memory_space<vmem>>) dst(%dma_wait3A_346 : memref<2x200x64xf32, #tpu.memory_space<hbm>>)
        } else {
        }
        %add3A_269 = arith.constant 1 : i32
        %add3A_270 = arith.addi %mul3A_94, %add3A_269 : i32
        %mul3A_271 = arith.constant 2 : i32
        %mul3A_272 = arith.muli %add3A_270, %mul3A_271 : i32
        %add3A_273 = arith.constant 0 : i32
        %add3A_274 = arith.addi %mul3A_272, %add3A_273 : i32
        %dma_start3A_275 = arith.constant 1 : i32
        %dma_start3A_276 = arith.constant 0 : i32
        %dma_start3A_277 = arith.constant 0 : i32
        %dma_start3A_278 = arith.constant 0 : i32
        %dma_start3A_279 = tpu.memref_slice %arg6[%dma_start3A_275, %dma_start3A_276, %dma_start3A_277, %dma_start3A_278] : memref<2x2x200x64xf32, #tpu.memory_space<vmem>> -> memref<1x1x128x64xf32, #tpu.memory_space<vmem>>
        %dma_start3A_280 = tpu.memref_squeeze %dma_start3A_279 : memref<1x1x128x64xf32, #tpu.memory_space<vmem>> -> memref<128x64xf32, #tpu.memory_space<vmem>>
        %dma_start3A_281 = arith.constant 0 : i32
        %dma_start3A_282 = tpu.memref_slice %arg5[%add3A_274, %dma_start3A_281] : memref<128x200xi32, #tpu.memory_space<vmem>> -> memref<1x128xi32, #tpu.memory_space<vmem>>
        %dma_start3A_283 = tpu.memref_squeeze %dma_start3A_282 : memref<1x128xi32, #tpu.memory_space<vmem>> -> memref<128xi32, #tpu.memory_space<vmem>>
        %dma_start3A_284 = arith.constant 0 : i32
        %dma_start3A_285 = arith.constant 0 : i32
        %dma_start3A_286 = tpu.memref_slice %arg3[%dma_start3A_284, %dma_start3A_285] : memref<1000000x64xf32, #tpu.memory_space<hbm>> -> memref<1000000x64xf32, #tpu.memory_space<hbm>>
        tpu.enqueue_indirect_dma source(%dma_start3A_286 : memref<1000000x64xf32, #tpu.memory_space<hbm>>) target(%dma_start3A_280 : memref<128x64xf32, #tpu.memory_space<vmem>>) offsets(%dma_start3A_283 : memref<128xi32, #tpu.memory_space<vmem>>) semaphore(%arg8 : memref<!tpu.dma_semaphore, #tpu.memory_space<semaphore_mem>>)
        %mul3A_287 = arith.constant 2 : i32
        %mul3A_288 = arith.muli %add3A_270, %mul3A_287 : i32
        %add3A_289 = arith.constant 0 : i32
        %add3A_290 = arith.addi %mul3A_288, %add3A_289 : i32
        %dma_start3A_291 = arith.constant 1 : i32
        %dma_start3A_292 = arith.constant 0 : i32
        %dma_start3A_293 = arith.constant 128 : i32
        %dma_start3A_294 = arith.constant 0 : i32
        %dma_start3A_295 = tpu.memref_slice %arg6[%dma_start3A_291, %dma_start3A_292, %dma_start3A_293, %dma_start3A_294] : memref<2x2x200x64xf32, #tpu.memory_space<vmem>> -> memref<1x1x72x64xf32, #tpu.memory_space<vmem>>
        %dma_start3A_296 = tpu.memref_squeeze %dma_start3A_295 : memref<1x1x72x64xf32, #tpu.memory_space<vmem>> -> memref<72x64xf32, #tpu.memory_space<vmem>>
        %dma_start3A_297 = arith.constant 128 : i32
        %dma_start3A_298 = tpu.memref_slice %arg5[%add3A_290, %dma_start3A_297] : memref<128x200xi32, #tpu.memory_space<vmem>> -> memref<1x72xi32, #tpu.memory_space<vmem>>
        %dma_start3A_299 = tpu.memref_squeeze %dma_start3A_298 : memref<1x72xi32, #tpu.memory_space<vmem>> -> memref<72xi32, #tpu.memory_space<vmem>>
        %dma_start3A_300 = arith.constant 0 : i32
        %dma_start3A_301 = arith.constant 0 : i32
        %dma_start3A_302 = tpu.memref_slice %arg3[%dma_start3A_300, %dma_start3A_301] : memref<1000000x64xf32, #tpu.memory_space<hbm>> -> memref<1000000x64xf32, #tpu.memory_space<hbm>>
        tpu.enqueue_indirect_dma source(%dma_start3A_302 : memref<1000000x64xf32, #tpu.memory_space<hbm>>) target(%dma_start3A_296 : memref<72x64xf32, #tpu.memory_space<vmem>>) offsets(%dma_start3A_299 : memref<72xi32, #tpu.memory_space<vmem>>) semaphore(%arg8 : memref<!tpu.dma_semaphore, #tpu.memory_space<semaphore_mem>>)
        %mul3A_303 = arith.constant 2 : i32
        %mul3A_304 = arith.muli %add3A_270, %mul3A_303 : i32
        %add3A_305 = arith.constant 1 : i32
        %add3A_306 = arith.addi %mul3A_304, %add3A_305 : i32
        %dma_start3A_307 = arith.constant 1 : i32
        %dma_start3A_308 = arith.constant 1 : i32
        %dma_start3A_309 = arith.constant 0 : i32
        %dma_start3A_310 = arith.constant 0 : i32
        %dma_start3A_311 = tpu.memref_slice %arg6[%dma_start3A_307, %dma_start3A_308, %dma_start3A_309, %dma_start3A_310] : memref<2x2x200x64xf32, #tpu.memory_space<vmem>> -> memref<1x1x128x64xf32, #tpu.memory_space<vmem>>
        %dma_start3A_312 = tpu.memref_squeeze %dma_start3A_311 : memref<1x1x128x64xf32, #tpu.memory_space<vmem>> -> memref<128x64xf32, #tpu.memory_space<vmem>>
        %dma_start3A_313 = arith.constant 0 : i32
        %dma_start3A_314 = tpu.memref_slice %arg5[%add3A_306, %dma_start3A_313] : memref<128x200xi32, #tpu.memory_space<vmem>> -> memref<1x128xi32, #tpu.memory_space<vmem>>
        %dma_start3A_315 = tpu.memref_squeeze %dma_start3A_314 : memref<1x128xi32, #tpu.memory_space<vmem>> -> memref<128xi32, #tpu.memory_space<vmem>>
        %dma_start3A_316 = arith.constant 0 : i32
        %dma_start3A_317 = arith.constant 0 : i32
        %dma_start3A_318 = tpu.memref_slice %arg3[%dma_start3A_316, %dma_start3A_317] : memref<1000000x64xf32, #tpu.memory_space<hbm>> -> memref<1000000x64xf32, #tpu.memory_space<hbm>>
        tpu.enqueue_indirect_dma source(%dma_start3A_318 : memref<1000000x64xf32, #tpu.memory_space<hbm>>) target(%dma_start3A_312 : memref<128x64xf32, #tpu.memory_space<vmem>>) offsets(%dma_start3A_315 : memref<128xi32, #tpu.memory_space<vmem>>) semaphore(%arg8 : memref<!tpu.dma_semaphore, #tpu.memory_space<semaphore_mem>>)
        %mul3A_319 = arith.constant 2 : i32
        %mul3A_320 = arith.muli %add3A_270, %mul3A_319 : i32
        %add3A_321 = arith.constant 1 : i32
        %add3A_322 = arith.addi %mul3A_320, %add3A_321 : i32
        %dma_start3A_323 = arith.constant 1 : i32
        %dma_start3A_324 = arith.constant 1 : i32
        %dma_start3A_325 = arith.constant 128 : i32
        %dma_start3A_326 = arith.constant 0 : i32
        %dma_start3A_327 = tpu.memref_slice %arg6[%dma_start3A_323, %dma_start3A_324, %dma_start3A_325, %dma_start3A_326] : memref<2x2x200x64xf32, #tpu.memory_space<vmem>> -> memref<1x1x72x64xf32, #tpu.memory_space<vmem>>
        %dma_start3A_328 = tpu.memref_squeeze %dma_start3A_327 : memref<1x1x72x64xf32, #tpu.memory_space<vmem>> -> memref<72x64xf32, #tpu.memory_space<vmem>>
        %dma_start3A_329 = arith.constant 128 : i32
        %dma_start3A_330 = tpu.memref_slice %arg5[%add3A_322, %dma_start3A_329] : memref<128x200xi32, #tpu.memory_space<vmem>> -> memref<1x72xi32, #tpu.memory_space<vmem>>
        %dma_start3A_331 = tpu.memref_squeeze %dma_start3A_330 : memref<1x72xi32, #tpu.memory_space<vmem>> -> memref<72xi32, #tpu.memory_space<vmem>>
        %dma_start3A_332 = arith.constant 0 : i32
        %dma_start3A_333 = arith.constant 0 : i32
        %dma_start3A_334 = tpu.memref_slice %arg3[%dma_start3A_332, %dma_start3A_333] : memref<1000000x64xf32, #tpu.memory_space<hbm>> -> memref<1000000x64xf32, #tpu.memory_space<hbm>>
        tpu.enqueue_indirect_dma source(%dma_start3A_334 : memref<1000000x64xf32, #tpu.memory_space<hbm>>) target(%dma_start3A_328 : memref<72x64xf32, #tpu.memory_space<vmem>>) offsets(%dma_start3A_331 : memref<72xi32, #tpu.memory_space<vmem>>) semaphore(%arg8 : memref<!tpu.dma_semaphore, #tpu.memory_space<semaphore_mem>>)
      } else {
      }
      %dma_wait3A_99 = arith.constant 0 : i32
      %dma_wait3A_100 = arith.constant 0 : i32
      %dma_wait3A_101 = arith.constant 0 : i32
      %dma_wait3A_102 = arith.constant 0 : i32
      %dma_wait3A_103 = arith.constant 0 : i32
      %dma_wait3A_104 = tpu.memref_slice %arg6[%dma_wait3A_100, %dma_wait3A_101, %dma_wait3A_102, %dma_wait3A_103] : memref<2x2x200x64xf32, #tpu.memory_space<vmem>> -> memref<1x1x128x64xf32, #tpu.memory_space<vmem>>
      %dma_wait3A_105 = tpu.memref_squeeze %dma_wait3A_104 : memref<1x1x128x64xf32, #tpu.memory_space<vmem>> -> memref<128x64xf32, #tpu.memory_space<vmem>>
      %dma_wait3A_106 = arith.constant 0 : i32
      %dma_wait3A_107 = tpu.memref_slice %arg5[%dma_wait3A_99, %dma_wait3A_106] : memref<128x200xi32, #tpu.memory_space<vmem>> -> memref<1x128xi32, #tpu.memory_space<vmem>>
      %dma_wait3A_108 = tpu.memref_squeeze %dma_wait3A_107 : memref<1x128xi32, #tpu.memory_space<vmem>> -> memref<128xi32, #tpu.memory_space<vmem>>
      %dma_wait3A_109 = arith.constant 0 : i32
      %dma_wait3A_110 = arith.constant 0 : i32
      %dma_wait3A_111 = tpu.memref_slice %arg3[%dma_wait3A_109, %dma_wait3A_110] : memref<1000000x64xf32, #tpu.memory_space<hbm>> -> memref<1000000x64xf32, #tpu.memory_space<hbm>>
      tpu.wait_indirect_dma semaphore(%arg7 : memref<!tpu.dma_semaphore, #tpu.memory_space<semaphore_mem>>) src(%dma_wait3A_111 : memref<1000000x64xf32, #tpu.memory_space<hbm>>) dst(%dma_wait3A_105 : memref<128x64xf32, #tpu.memory_space<vmem>>)
      %dma_wait3A_112 = arith.constant 0 : i32
      %dma_wait3A_113 = arith.constant 0 : i32
      %dma_wait3A_114 = arith.constant 0 : i32
      %dma_wait3A_115 = arith.constant 128 : i32
      %dma_wait3A_116 = arith.constant 0 : i32
      %dma_wait3A_117 = tpu.memref_slice %arg6[%dma_wait3A_113, %dma_wait3A_114, %dma_wait3A_115, %dma_wait3A_116] : memref<2x2x200x64xf32, #tpu.memory_space<vmem>> -> memref<1x1x72x64xf32, #tpu.memory_space<vmem>>
      %dma_wait3A_118 = tpu.memref_squeeze %dma_wait3A_117 : memref<1x1x72x64xf32, #tpu.memory_space<vmem>> -> memref<72x64xf32, #tpu.memory_space<vmem>>
      %dma_wait3A_119 = arith.constant 128 : i32
      %dma_wait3A_120 = tpu.memref_slice %arg5[%dma_wait3A_112, %dma_wait3A_119] : memref<128x200xi32, #tpu.memory_space<vmem>> -> memref<1x72xi32, #tpu.memory_space<vmem>>
      %dma_wait3A_121 = tpu.memref_squeeze %dma_wait3A_120 : memref<1x72xi32, #tpu.memory_space<vmem>> -> memref<72xi32, #tpu.memory_space<vmem>>
      %dma_wait3A_122 = arith.constant 0 : i32
      %dma_wait3A_123 = arith.constant 0 : i32
      %dma_wait3A_124 = tpu.memref_slice %arg3[%dma_wait3A_122, %dma_wait3A_123] : memref<1000000x64xf32, #tpu.memory_space<hbm>> -> memref<1000000x64xf32, #tpu.memory_space<hbm>>
      tpu.wait_indirect_dma semaphore(%arg7 : memref<!tpu.dma_semaphore, #tpu.memory_space<semaphore_mem>>) src(%dma_wait3A_124 : memref<1000000x64xf32, #tpu.memory_space<hbm>>) dst(%dma_wait3A_118 : memref<72x64xf32, #tpu.memory_space<vmem>>)
      %dma_wait3A_125 = arith.constant 1 : i32
      %dma_wait3A_126 = arith.constant 0 : i32
      %dma_wait3A_127 = arith.constant 1 : i32
      %dma_wait3A_128 = arith.constant 0 : i32
      %dma_wait3A_129 = arith.constant 0 : i32
      %dma_wait3A_130 = tpu.memref_slice %arg6[%dma_wait3A_126, %dma_wait3A_127, %dma_wait3A_128, %dma_wait3A_129] : memref<2x2x200x64xf32, #tpu.memory_space<vmem>> -> memref<1x1x128x64xf32, #tpu.memory_space<vmem>>
      %dma_wait3A_131 = tpu.memref_squeeze %dma_wait3A_130 : memref<1x1x128x64xf32, #tpu.memory_space<vmem>> -> memref<128x64xf32, #tpu.memory_space<vmem>>
      %dma_wait3A_132 = arith.constant 0 : i32
      %dma_wait3A_133 = tpu.memref_slice %arg5[%dma_wait3A_125, %dma_wait3A_132] : memref<128x200xi32, #tpu.memory_space<vmem>> -> memref<1x128xi32, #tpu.memory_space<vmem>>
      %dma_wait3A_134 = tpu.memref_squeeze %dma_wait3A_133 : memref<1x128xi32, #tpu.memory_space<vmem>> -> memref<128xi32, #tpu.memory_space<vmem>>
      %dma_wait3A_135 = arith.constant 0 : i32
      %dma_wait3A_136 = arith.constant 0 : i32
      %dma_wait3A_137 = tpu.memref_slice %arg3[%dma_wait3A_135, %dma_wait3A_136] : memref<1000000x64xf32, #tpu.memory_space<hbm>> -> memref<1000000x64xf32, #tpu.memory_space<hbm>>
      tpu.wait_indirect_dma semaphore(%arg7 : memref<!tpu.dma_semaphore, #tpu.memory_space<semaphore_mem>>) src(%dma_wait3A_137 : memref<1000000x64xf32, #tpu.memory_space<hbm>>) dst(%dma_wait3A_131 : memref<128x64xf32, #tpu.memory_space<vmem>>)
      %dma_wait3A_138 = arith.constant 1 : i32
      %dma_wait3A_139 = arith.constant 0 : i32
      %dma_wait3A_140 = arith.constant 1 : i32
      %dma_wait3A_141 = arith.constant 128 : i32
      %dma_wait3A_142 = arith.constant 0 : i32
      %dma_wait3A_143 = tpu.memref_slice %arg6[%dma_wait3A_139, %dma_wait3A_140, %dma_wait3A_141, %dma_wait3A_142] : memref<2x2x200x64xf32, #tpu.memory_space<vmem>> -> memref<1x1x72x64xf32, #tpu.memory_space<vmem>>
      %dma_wait3A_144 = tpu.memref_squeeze %dma_wait3A_143 : memref<1x1x72x64xf32, #tpu.memory_space<vmem>> -> memref<72x64xf32, #tpu.memory_space<vmem>>
      %dma_wait3A_145 = arith.constant 128 : i32
      %dma_wait3A_146 = tpu.memref_slice %arg5[%dma_wait3A_138, %dma_wait3A_145] : memref<128x200xi32, #tpu.memory_space<vmem>> -> memref<1x72xi32, #tpu.memory_space<vmem>>
      %dma_wait3A_147 = tpu.memref_squeeze %dma_wait3A_146 : memref<1x72xi32, #tpu.memory_space<vmem>> -> memref<72xi32, #tpu.memory_space<vmem>>
      %dma_wait3A_148 = arith.constant 0 : i32
      %dma_wait3A_149 = arith.constant 0 : i32
      %dma_wait3A_150 = tpu.memref_slice %arg3[%dma_wait3A_148, %dma_wait3A_149] : memref<1000000x64xf32, #tpu.memory_space<hbm>> -> memref<1000000x64xf32, #tpu.memory_space<hbm>>
      tpu.wait_indirect_dma semaphore(%arg7 : memref<!tpu.dma_semaphore, #tpu.memory_space<semaphore_mem>>) src(%dma_wait3A_150 : memref<1000000x64xf32, #tpu.memory_space<hbm>>) dst(%dma_wait3A_144 : memref<72x64xf32, #tpu.memory_space<vmem>>)
      %parallel_loop3A = arith.constant 0 : i32
      %parallel_loop3A_151 = arith.constant 200 : i32
      %parallel_loop3A_152 = arith.constant 1 : i32
      scf.for %parallel_loop3A_265 = %parallel_loop3A to %parallel_loop3A_151 step %parallel_loop3A_152  : i32 {
        %parallel_loop3A_266 = arith.constant 0 : i32
        %parallel_loop3A_267 = arith.constant 0 : i32
        %parallel_loop3A_268 = arith.index_cast %parallel_loop3A_266 : i32 to index
        %parallel_loop3A_269 = arith.index_cast %parallel_loop3A_267 : i32 to index
        %parallel_loop3A_270 = arith.index_cast %parallel_loop3A_265 : i32 to index
        %parallel_loop3A_271 = arith.constant 0 : index
        %parallel_loop3A_272 = tpu.vector_load %arg6[%parallel_loop3A_268, %parallel_loop3A_269, %parallel_loop3A_270, %parallel_loop3A_271] {strides = array<i32>} : memref<2x2x200x64xf32, #tpu.memory_space<vmem>>, vector<1x1x1x16xf32>,
        %parallel_loop3A_273 = vector.shape_cast %parallel_loop3A_272 : vector<1x1x1x16xf32> to vector<16xf32>
        %parallel_loop3A_274 = arith.constant 8.000000e+00 : f32
        %parallel_loop3A_275 = vector.broadcast %parallel_loop3A_274 : f32 to vector<16xf32>
        %parallel_loop3A_276 = arith.mulf %parallel_loop3A_273, %parallel_loop3A_275 : vector<16xf32>
        %parallel_loop3A_277 = arith.constant 0 : i32
        %parallel_loop3A_278 = arith.constant 0 : i32
        %parallel_loop3A_279 = arith.index_cast %parallel_loop3A_277 : i32 to index
        %parallel_loop3A_280 = arith.index_cast %parallel_loop3A_278 : i32 to index
        %parallel_loop3A_281 = arith.index_cast %parallel_loop3A_265 : i32 to index
        %parallel_loop3A_282 = arith.constant 0 : index
        %parallel_loop3A_283 = tpu.vector_load %arg6[%parallel_loop3A_279, %parallel_loop3A_280, %parallel_loop3A_281, %parallel_loop3A_282] {strides = array<i32>} : memref<2x2x200x64xf32, #tpu.memory_space<vmem>>, vector<1x1x1x16xf32>,
        %parallel_loop3A_284 = vector.shape_cast %parallel_loop3A_283 : vector<1x1x1x16xf32> to vector<16xf32>
        %parallel_loop3A_285 = vector.shape_cast %parallel_loop3A_276 : vector<16xf32> to vector<1x1x1x16xf32>
        tpu.vector_store %arg6[%parallel_loop3A_279, %parallel_loop3A_280, %parallel_loop3A_281, %parallel_loop3A_282], %parallel_loop3A_285 {strides = array<i32>} : memref<2x2x200x64xf32, #tpu.memory_space<vmem>>, vector<1x1x1x16xf32>,
        %parallel_loop3A_286 = arith.constant 0 : i32
        %parallel_loop3A_287 = arith.constant 0 : i32
        %parallel_loop3A_288 = arith.index_cast %parallel_loop3A_286 : i32 to index
        %parallel_loop3A_289 = arith.index_cast %parallel_loop3A_287 : i32 to index
        %parallel_loop3A_290 = arith.index_cast %parallel_loop3A_265 : i32 to index
        %parallel_loop3A_291 = arith.constant 16 : index
        %parallel_loop3A_292 = tpu.vector_load %arg6[%parallel_loop3A_288, %parallel_loop3A_289, %parallel_loop3A_290, %parallel_loop3A_291] {strides = array<i32>} : memref<2x2x200x64xf32, #tpu.memory_space<vmem>>, vector<1x1x1x16xf32>,
        %parallel_loop3A_293 = vector.shape_cast %parallel_loop3A_292 : vector<1x1x1x16xf32> to vector<16xf32>
        %parallel_loop3A_294 = arith.constant 8.000000e+00 : f32
        %parallel_loop3A_295 = vector.broadcast %parallel_loop3A_294 : f32 to vector<16xf32>
        %parallel_loop3A_296 = arith.mulf %parallel_loop3A_293, %parallel_loop3A_295 : vector<16xf32>
        %parallel_loop3A_297 = arith.constant 0 : i32
        %parallel_loop3A_298 = arith.constant 0 : i32
        %parallel_loop3A_299 = arith.index_cast %parallel_loop3A_297 : i32 to index
        %parallel_loop3A_300 = arith.index_cast %parallel_loop3A_298 : i32 to index
        %parallel_loop3A_301 = arith.index_cast %parallel_loop3A_265 : i32 to index
        %parallel_loop3A_302 = arith.constant 16 : index
        %parallel_loop3A_303 = tpu.vector_load %arg6[%parallel_loop3A_299, %parallel_loop3A_300, %parallel_loop3A_301, %parallel_loop3A_302] {strides = array<i32>} : memref<2x2x200x64xf32, #tpu.memory_space<vmem>>, vector<1x1x1x16xf32>,
        %parallel_loop3A_304 = vector.shape_cast %parallel_loop3A_303 : vector<1x1x1x16xf32> to vector<16xf32>
        %parallel_loop3A_305 = vector.shape_cast %parallel_loop3A_296 : vector<16xf32> to vector<1x1x1x16xf32>
        tpu.vector_store %arg6[%parallel_loop3A_299, %parallel_loop3A_300, %parallel_loop3A_301, %parallel_loop3A_302], %parallel_loop3A_305 {strides = array<i32>} : memref<2x2x200x64xf32, #tpu.memory_space<vmem>>, vector<1x1x1x16xf32>,
        %parallel_loop3A_306 = arith.constant 0 : i32
        %parallel_loop3A_307 = arith.constant 0 : i32
        %parallel_loop3A_308 = arith.index_cast %parallel_loop3A_306 : i32 to index
        %parallel_loop3A_309 = arith.index_cast %parallel_loop3A_307 : i32 to index
        %parallel_loop3A_310 = arith.index_cast %parallel_loop3A_265 : i32 to index
        %parallel_loop3A_311 = arith.constant 32 : index
        %parallel_loop3A_312 = tpu.vector_load %arg6[%parallel_loop3A_308, %parallel_loop3A_309, %parallel_loop3A_310, %parallel_loop3A_311] {strides = array<i32>} : memref<2x2x200x64xf32, #tpu.memory_space<vmem>>, vector<1x1x1x16xf32>,
        %parallel_loop3A_313 = vector.shape_cast %parallel_loop3A_312 : vector<1x1x1x16xf32> to vector<16xf32>
        %parallel_loop3A_314 = arith.constant 8.000000e+00 : f32
        %parallel_loop3A_315 = vector.broadcast %parallel_loop3A_314 : f32 to vector<16xf32>
        %parallel_loop3A_316 = arith.mulf %parallel_loop3A_313, %parallel_loop3A_315 : vector<16xf32>
        %parallel_loop3A_317 = arith.constant 0 : i32
        %parallel_loop3A_318 = arith.constant 0 : i32
        %parallel_loop3A_319 = arith.index_cast %parallel_loop3A_317 : i32 to index
        %parallel_loop3A_320 = arith.index_cast %parallel_loop3A_318 : i32 to index
        %parallel_loop3A_321 = arith.index_cast %parallel_loop3A_265 : i32 to index
        %parallel_loop3A_322 = arith.constant 32 : index
        %parallel_loop3A_323 = tpu.vector_load %arg6[%parallel_loop3A_319, %parallel_loop3A_320, %parallel_loop3A_321, %parallel_loop3A_322] {strides = array<i32>} : memref<2x2x200x64xf32, #tpu.memory_space<vmem>>, vector<1x1x1x16xf32>,
        %parallel_loop3A_324 = vector.shape_cast %parallel_loop3A_323 : vector<1x1x1x16xf32> to vector<16xf32>
        %parallel_loop3A_325 = vector.shape_cast %parallel_loop3A_316 : vector<16xf32> to vector<1x1x1x16xf32>
        tpu.vector_store %arg6[%parallel_loop3A_319, %parallel_loop3A_320, %parallel_loop3A_321, %parallel_loop3A_322], %parallel_loop3A_325 {strides = array<i32>} : memref<2x2x200x64xf32, #tpu.memory_space<vmem>>, vector<1x1x1x16xf32>,
        %parallel_loop3A_326 = arith.constant 0 : i32
        %parallel_loop3A_327 = arith.constant 0 : i32
        %parallel_loop3A_328 = arith.index_cast %parallel_loop3A_326 : i32 to index
        %parallel_loop3A_329 = arith.index_cast %parallel_loop3A_327 : i32 to index
        %parallel_loop3A_330 = arith.index_cast %parallel_loop3A_265 : i32 to index
        %parallel_loop3A_331 = arith.constant 48 : index
        %parallel_loop3A_332 = tpu.vector_load %arg6[%parallel_loop3A_328, %parallel_loop3A_329, %parallel_loop3A_330, %parallel_loop3A_331] {strides = array<i32>} : memref<2x2x200x64xf32, #tpu.memory_space<vmem>>, vector<1x1x1x16xf32>,
        %parallel_loop3A_333 = vector.shape_cast %parallel_loop3A_332 : vector<1x1x1x16xf32> to vector<16xf32>
        %parallel_loop3A_334 = arith.constant 8.000000e+00 : f32
        %parallel_loop3A_335 = vector.broadcast %parallel_loop3A_334 : f32 to vector<16xf32>
        %parallel_loop3A_336 = arith.mulf %parallel_loop3A_333, %parallel_loop3A_335 : vector<16xf32>
        %parallel_loop3A_337 = arith.constant 0 : i32
        %parallel_loop3A_338 = arith.constant 0 : i32
        %parallel_loop3A_339 = arith.index_cast %parallel_loop3A_337 : i32 to index
        %parallel_loop3A_340 = arith.index_cast %parallel_loop3A_338 : i32 to index
        %parallel_loop3A_341 = arith.index_cast %parallel_loop3A_265 : i32 to index
        %parallel_loop3A_342 = arith.constant 48 : index
        %parallel_loop3A_343 = tpu.vector_load %arg6[%parallel_loop3A_339, %parallel_loop3A_340, %parallel_loop3A_341, %parallel_loop3A_342] {strides = array<i32>} : memref<2x2x200x64xf32, #tpu.memory_space<vmem>>, vector<1x1x1x16xf32>,
        %parallel_loop3A_344 = vector.shape_cast %parallel_loop3A_343 : vector<1x1x1x16xf32> to vector<16xf32>
        %parallel_loop3A_345 = vector.shape_cast %parallel_loop3A_336 : vector<16xf32> to vector<1x1x1x16xf32>
        tpu.vector_store %arg6[%parallel_loop3A_339, %parallel_loop3A_340, %parallel_loop3A_341, %parallel_loop3A_342], %parallel_loop3A_345 {strides = array<i32>} : memref<2x2x200x64xf32, #tpu.memory_space<vmem>>, vector<1x1x1x16xf32>,
      } {sc.loop_unroll_factor = 8 : i64, sc.parallel_access}
      %parallel_loop3A_153 = arith.constant 0 : i32
      %parallel_loop3A_154 = arith.constant 200 : i32
      %parallel_loop3A_155 = arith.constant 1 : i32
      scf.for %parallel_loop3A_265 = %parallel_loop3A_153 to %parallel_loop3A_154 step %parallel_loop3A_155  : i32 {
        %parallel_loop3A_266 = arith.constant 0 : i32
        %parallel_loop3A_267 = arith.constant 1 : i32
        %parallel_loop3A_268 = arith.index_cast %parallel_loop3A_266 : i32 to index
        %parallel_loop3A_269 = arith.index_cast %parallel_loop3A_267 : i32 to index
        %parallel_loop3A_270 = arith.index_cast %parallel_loop3A_265 : i32 to index
        %parallel_loop3A_271 = arith.constant 0 : index
        %parallel_loop3A_272 = tpu.vector_load %arg6[%parallel_loop3A_268, %parallel_loop3A_269, %parallel_loop3A_270, %parallel_loop3A_271] {strides = array<i32>} : memref<2x2x200x64xf32, #tpu.memory_space<vmem>>, vector<1x1x1x16xf32>,
        %parallel_loop3A_273 = vector.shape_cast %parallel_loop3A_272 : vector<1x1x1x16xf32> to vector<16xf32>
        %parallel_loop3A_274 = arith.constant 8.000000e+00 : f32
        %parallel_loop3A_275 = vector.broadcast %parallel_loop3A_274 : f32 to vector<16xf32>
        %parallel_loop3A_276 = arith.mulf %parallel_loop3A_273, %parallel_loop3A_275 : vector<16xf32>
        %parallel_loop3A_277 = arith.constant 0 : i32
        %parallel_loop3A_278 = arith.constant 1 : i32
        %parallel_loop3A_279 = arith.index_cast %parallel_loop3A_277 : i32 to index
        %parallel_loop3A_280 = arith.index_cast %parallel_loop3A_278 : i32 to index
        %parallel_loop3A_281 = arith.index_cast %parallel_loop3A_265 : i32 to index
        %parallel_loop3A_282 = arith.constant 0 : index
        %parallel_loop3A_283 = tpu.vector_load %arg6[%parallel_loop3A_279, %parallel_loop3A_280, %parallel_loop3A_281, %parallel_loop3A_282] {strides = array<i32>} : memref<2x2x200x64xf32, #tpu.memory_space<vmem>>, vector<1x1x1x16xf32>,
        %parallel_loop3A_284 = vector.shape_cast %parallel_loop3A_283 : vector<1x1x1x16xf32> to vector<16xf32>
        %parallel_loop3A_285 = vector.shape_cast %parallel_loop3A_276 : vector<16xf32> to vector<1x1x1x16xf32>
        tpu.vector_store %arg6[%parallel_loop3A_279, %parallel_loop3A_280, %parallel_loop3A_281, %parallel_loop3A_282], %parallel_loop3A_285 {strides = array<i32>} : memref<2x2x200x64xf32, #tpu.memory_space<vmem>>, vector<1x1x1x16xf32>,
        %parallel_loop3A_286 = arith.constant 0 : i32
        %parallel_loop3A_287 = arith.constant 1 : i32
        %parallel_loop3A_288 = arith.index_cast %parallel_loop3A_286 : i32 to index
        %parallel_loop3A_289 = arith.index_cast %parallel_loop3A_287 : i32 to index
        %parallel_loop3A_290 = arith.index_cast %parallel_loop3A_265 : i32 to index
        %parallel_loop3A_291 = arith.constant 16 : index
        %parallel_loop3A_292 = tpu.vector_load %arg6[%parallel_loop3A_288, %parallel_loop3A_289, %parallel_loop3A_290, %parallel_loop3A_291] {strides = array<i32>} : memref<2x2x200x64xf32, #tpu.memory_space<vmem>>, vector<1x1x1x16xf32>,
        %parallel_loop3A_293 = vector.shape_cast %parallel_loop3A_292 : vector<1x1x1x16xf32> to vector<16xf32>
        %parallel_loop3A_294 = arith.constant 8.000000e+00 : f32
        %parallel_loop3A_295 = vector.broadcast %parallel_loop3A_294 : f32 to vector<16xf32>
        %parallel_loop3A_296 = arith.mulf %parallel_loop3A_293, %parallel_loop3A_295 : vector<16xf32>
        %parallel_loop3A_297 = arith.constant 0 : i32
        %parallel_loop3A_298 = arith.constant 1 : i32
        %parallel_loop3A_299 = arith.index_cast %parallel_loop3A_297 : i32 to index
        %parallel_loop3A_300 = arith.index_cast %parallel_loop3A_298 : i32 to index
        %parallel_loop3A_301 = arith.index_cast %parallel_loop3A_265 : i32 to index
        %parallel_loop3A_302 = arith.constant 16 : index
        %parallel_loop3A_303 = tpu.vector_load %arg6[%parallel_loop3A_299, %parallel_loop3A_300, %parallel_loop3A_301, %parallel_loop3A_302] {strides = array<i32>} : memref<2x2x200x64xf32, #tpu.memory_space<vmem>>, vector<1x1x1x16xf32>,
        %parallel_loop3A_304 = vector.shape_cast %parallel_loop3A_303 : vector<1x1x1x16xf32> to vector<16xf32>
        %parallel_loop3A_305 = vector.shape_cast %parallel_loop3A_296 : vector<16xf32> to vector<1x1x1x16xf32>
        tpu.vector_store %arg6[%parallel_loop3A_299, %parallel_loop3A_300, %parallel_loop3A_301, %parallel_loop3A_302], %parallel_loop3A_305 {strides = array<i32>} : memref<2x2x200x64xf32, #tpu.memory_space<vmem>>, vector<1x1x1x16xf32>,
        %parallel_loop3A_306 = arith.constant 0 : i32
        %parallel_loop3A_307 = arith.constant 1 : i32
        %parallel_loop3A_308 = arith.index_cast %parallel_loop3A_306 : i32 to index
        %parallel_loop3A_309 = arith.index_cast %parallel_loop3A_307 : i32 to index
        %parallel_loop3A_310 = arith.index_cast %parallel_loop3A_265 : i32 to index
        %parallel_loop3A_311 = arith.constant 32 : index
        %parallel_loop3A_312 = tpu.vector_load %arg6[%parallel_loop3A_308, %parallel_loop3A_309, %parallel_loop3A_310, %parallel_loop3A_311] {strides = array<i32>} : memref<2x2x200x64xf32, #tpu.memory_space<vmem>>, vector<1x1x1x16xf32>,
        %parallel_loop3A_313 = vector.shape_cast %parallel_loop3A_312 : vector<1x1x1x16xf32> to vector<16xf32>
        %parallel_loop3A_314 = arith.constant 8.000000e+00 : f32
        %parallel_loop3A_315 = vector.broadcast %parallel_loop3A_314 : f32 to vector<16xf32>
        %parallel_loop3A_316 = arith.mulf %parallel_loop3A_313, %parallel_loop3A_315 : vector<16xf32>
        %parallel_loop3A_317 = arith.constant 0 : i32
        %parallel_loop3A_318 = arith.constant 1 : i32
        %parallel_loop3A_319 = arith.index_cast %parallel_loop3A_317 : i32 to index
        %parallel_loop3A_320 = arith.index_cast %parallel_loop3A_318 : i32 to index
        %parallel_loop3A_321 = arith.index_cast %parallel_loop3A_265 : i32 to index
        %parallel_loop3A_322 = arith.constant 32 : index
        %parallel_loop3A_323 = tpu.vector_load %arg6[%parallel_loop3A_319, %parallel_loop3A_320, %parallel_loop3A_321, %parallel_loop3A_322] {strides = array<i32>} : memref<2x2x200x64xf32, #tpu.memory_space<vmem>>, vector<1x1x1x16xf32>,
        %parallel_loop3A_324 = vector.shape_cast %parallel_loop3A_323 : vector<1x1x1x16xf32> to vector<16xf32>
        %parallel_loop3A_325 = vector.shape_cast %parallel_loop3A_316 : vector<16xf32> to vector<1x1x1x16xf32>
        tpu.vector_store %arg6[%parallel_loop3A_319, %parallel_loop3A_320, %parallel_loop3A_321, %parallel_loop3A_322], %parallel_loop3A_325 {strides = array<i32>} : memref<2x2x200x64xf32, #tpu.memory_space<vmem>>, vector<1x1x1x16xf32>,
        %parallel_loop3A_326 = arith.constant 0 : i32
        %parallel_loop3A_327 = arith.constant 1 : i32
        %parallel_loop3A_328 = arith.index_cast %parallel_loop3A_326 : i32 to index
        %parallel_loop3A_329 = arith.index_cast %parallel_loop3A_327 : i32 to index
        %parallel_loop3A_330 = arith.index_cast %parallel_loop3A_265 : i32 to index
        %parallel_loop3A_331 = arith.constant 48 : index
        %parallel_loop3A_332 = tpu.vector_load %arg6[%parallel_loop3A_328, %parallel_loop3A_329, %parallel_loop3A_330, %parallel_loop3A_331] {strides = array<i32>} : memref<2x2x200x64xf32, #tpu.memory_space<vmem>>, vector<1x1x1x16xf32>,
        %parallel_loop3A_333 = vector.shape_cast %parallel_loop3A_332 : vector<1x1x1x16xf32> to vector<16xf32>
        %parallel_loop3A_334 = arith.constant 8.000000e+00 : f32
        %parallel_loop3A_335 = vector.broadcast %parallel_loop3A_334 : f32 to vector<16xf32>
        %parallel_loop3A_336 = arith.mulf %parallel_loop3A_333, %parallel_loop3A_335 : vector<16xf32>
        %parallel_loop3A_337 = arith.constant 0 : i32
        %parallel_loop3A_338 = arith.constant 1 : i32
        %parallel_loop3A_339 = arith.index_cast %parallel_loop3A_337 : i32 to index
        %parallel_loop3A_340 = arith.index_cast %parallel_loop3A_338 : i32 to index
        %parallel_loop3A_341 = arith.index_cast %parallel_loop3A_265 : i32 to index
        %parallel_loop3A_342 = arith.constant 48 : index
        %parallel_loop3A_343 = tpu.vector_load %arg6[%parallel_loop3A_339, %parallel_loop3A_340, %parallel_loop3A_341, %parallel_loop3A_342] {strides = array<i32>} : memref<2x2x200x64xf32, #tpu.memory_space<vmem>>, vector<1x1x1x16xf32>,
        %parallel_loop3A_344 = vector.shape_cast %parallel_loop3A_343 : vector<1x1x1x16xf32> to vector<16xf32>
        %parallel_loop3A_345 = vector.shape_cast %parallel_loop3A_336 : vector<16xf32> to vector<1x1x1x16xf32>
        tpu.vector_store %arg6[%parallel_loop3A_339, %parallel_loop3A_340, %parallel_loop3A_341, %parallel_loop3A_342], %parallel_loop3A_345 {strides = array<i32>} : memref<2x2x200x64xf32, #tpu.memory_space<vmem>>, vector<1x1x1x16xf32>,
      } {sc.loop_unroll_factor = 8 : i64, sc.parallel_access}
      %mul3A_156 = arith.constant 2 : i32
      %mul3A_157 = arith.muli %mul3A_94, %mul3A_156 : i32
      %add3A_158 = arith.addi %mul3A_2, %mul3A_157 : i32
      %dma_start3A_159 = arith.constant 0 : i32
      %dma_start3A_160 = arith.constant 0 : i32
      %dma_start3A_161 = arith.constant 0 : i32
      %dma_start3A_162 = arith.constant 0 : i32
      %dma_start3A_163 = tpu.memref_slice %arg6[%dma_start3A_159, %dma_start3A_160, %dma_start3A_161, %dma_start3A_162] : memref<2x2x200x64xf32, #tpu.memory_space<vmem>> -> memref<1x2x200x64xf32, #tpu.memory_space<vmem>>
      %dma_start3A_164 = tpu.memref_squeeze %dma_start3A_163 : memref<1x2x200x64xf32, #tpu.memory_space<vmem>> -> memref<2x200x64xf32, #tpu.memory_space<vmem>>
      %dma_start3A_165 = arith.constant 0 : i32
      %dma_start3A_166 = arith.constant 0 : i32
      %dma_start3A_167 = tpu.memref_slice %arg4[%add3A_158, %dma_start3A_165, %dma_start3A_166] : memref<4096x200x64xf32, #tpu.memory_space<hbm>> -> memref<2x200x64xf32, #tpu.memory_space<hbm>>
      %dma_start3A_168 = arith.constant 0 : i32
      %dma_start3A_169 = arith.constant 0 : i32
      %dma_start3A_170 = tpu.memref_slice %arg4[%add3A_158, %dma_start3A_168, %dma_start3A_169] : memref<4096x200x64xf32, #tpu.memory_space<hbm>> -> memref<2x200x64xf32, #tpu.memory_space<hbm>>
      %dma_start3A_171 = arith.constant 0 : i32
      %dma_start3A_172 = arith.constant 0 : i32
      %dma_start3A_173 = arith.constant 0 : i32
      %dma_start3A_174 = tpu.memref_slice %arg6[%dma_start3A_159, %dma_start3A_171, %dma_start3A_172, %dma_start3A_173] : memref<2x2x200x64xf32, #tpu.memory_space<vmem>> -> memref<1x2x200x64xf32, #tpu.memory_space<vmem>>
      %dma_start3A_175 = tpu.memref_squeeze %dma_start3A_174 : memref<1x2x200x64xf32, #tpu.memory_space<vmem>> -> memref<2x200x64xf32, #tpu.memory_space<vmem>>
      tpu.enqueue_dma source(%dma_start3A_175 : memref<2x200x64xf32, #tpu.memory_space<vmem>>) target(%dma_start3A_170 : memref<2x200x64xf32, #tpu.memory_space<hbm>>) target_semaphore(%arg9 : memref<!tpu.dma_semaphore, #tpu.memory_space<semaphore_mem>>)
      %mul3A_176 = arith.constant 2 : i32
      %mul3A_177 = arith.muli %scan3A_92, %mul3A_176 : i32
      %add3A_178 = arith.constant 1 : i32
      %add3A_179 = arith.addi %mul3A_177, %add3A_178 : i32
      %add3A_180 = arith.constant 1 : i32
      %add3A_181 = arith.addi %add3A_179, %add3A_180 : i32
      %lt3A_182 = arith.constant 64 : i32
      %lt3A_183 = arith.cmpi slt, %add3A_181, %lt3A_182 : i32
      %convert_element_type3A_184 = arith.extui %lt3A_183 : i1 to i32
      %cond3A_185 = arith.constant 0 : i32
      %cond3A_186 = arith.cmpi ne, %convert_element_type3A_184, %cond3A_185 : i32
      scf.if %cond3A_186 {
        %ge3A = arith.constant 1 : i32
        %ge3A_265 = arith.cmpi sge, %add3A_179, %ge3A : i32
        %convert_element_type3A_266 = arith.extui %ge3A_265 : i1 to i32
        %cond3A_267 = arith.constant 0 : i32
        %cond3A_268 = arith.cmpi ne, %convert_element_type3A_266, %cond3A_267 : i32
        scf.if %cond3A_268 {
          %dma_wait3A_335 = arith.constant 0 : i32
          %dma_wait3A_336 = arith.constant 0 : i32
          %dma_wait3A_337 = arith.constant 0 : i32
          %dma_wait3A_338 = arith.constant 0 : i32
          %dma_wait3A_339 = tpu.memref_slice %arg6[%dma_wait3A_335, %dma_wait3A_336, %dma_wait3A_337, %dma_wait3A_338] : memref<2x2x200x64xf32, #tpu.memory_space<vmem>> -> memref<1x2x200x64xf32, #tpu.memory_space<vmem>>
          %dma_wait3A_340 = tpu.memref_squeeze %dma_wait3A_339 : memref<1x2x200x64xf32, #tpu.memory_space<vmem>> -> memref<2x200x64xf32, #tpu.memory_space<vmem>>
          %dma_wait3A_341 = arith.constant 0 : i32
          %dma_wait3A_342 = arith.constant 0 : i32
          %dma_wait3A_343 = tpu.memref_slice %arg4[%mul3A_2, %dma_wait3A_341, %dma_wait3A_342] : memref<4096x200x64xf32, #tpu.memory_space<hbm>> -> memref<2x200x64xf32, #tpu.memory_space<hbm>>
          %dma_wait3A_344 = arith.constant 0 : i32
          %dma_wait3A_345 = arith.constant 0 : i32
          %dma_wait3A_346 = tpu.memref_slice %arg4[%mul3A_2, %dma_wait3A_344, %dma_wait3A_345] : memref<4096x200x64xf32, #tpu.memory_space<hbm>> -> memref<2x200x64xf32, #tpu.memory_space<hbm>>
          %dma_wait3A_347 = arith.constant 0 : i32
          %dma_wait3A_348 = arith.constant 0 : i32
          %dma_wait3A_349 = arith.constant 0 : i32
          %dma_wait3A_350 = tpu.memref_slice %arg6[%dma_wait3A_335, %dma_wait3A_347, %dma_wait3A_348, %dma_wait3A_349] : memref<2x2x200x64xf32, #tpu.memory_space<vmem>> -> memref<1x2x200x64xf32, #tpu.memory_space<vmem>>
          %dma_wait3A_351 = tpu.memref_squeeze %dma_wait3A_350 : memref<1x2x200x64xf32, #tpu.memory_space<vmem>> -> memref<2x200x64xf32, #tpu.memory_space<vmem>>
          tpu.wait_dma2 semaphore(%arg9 : memref<!tpu.dma_semaphore, #tpu.memory_space<semaphore_mem>>) src(%dma_wait3A_351 : memref<2x200x64xf32, #tpu.memory_space<vmem>>) dst(%dma_wait3A_346 : memref<2x200x64xf32, #tpu.memory_space<hbm>>)
        } else {
        }
        %add3A_269 = arith.constant 1 : i32
        %add3A_270 = arith.addi %add3A_179, %add3A_269 : i32
        %mul3A_271 = arith.constant 2 : i32
        %mul3A_272 = arith.muli %add3A_270, %mul3A_271 : i32
        %add3A_273 = arith.constant 0 : i32
        %add3A_274 = arith.addi %mul3A_272, %add3A_273 : i32
        %dma_start3A_275 = arith.constant 0 : i32
        %dma_start3A_276 = arith.constant 0 : i32
        %dma_start3A_277 = arith.constant 0 : i32
        %dma_start3A_278 = arith.constant 0 : i32
        %dma_start3A_279 = tpu.memref_slice %arg6[%dma_start3A_275, %dma_start3A_276, %dma_start3A_277, %dma_start3A_278] : memref<2x2x200x64xf32, #tpu.memory_space<vmem>> -> memref<1x1x128x64xf32, #tpu.memory_space<vmem>>
        %dma_start3A_280 = tpu.memref_squeeze %dma_start3A_279 : memref<1x1x128x64xf32, #tpu.memory_space<vmem>> -> memref<128x64xf32, #tpu.memory_space<vmem>>
        %dma_start3A_281 = arith.constant 0 : i32
        %dma_start3A_282 = tpu.memref_slice %arg5[%add3A_274, %dma_start3A_281] : memref<128x200xi32, #tpu.memory_space<vmem>> -> memref<1x128xi32, #tpu.memory_space<vmem>>
        %dma_start3A_283 = tpu.memref_squeeze %dma_start3A_282 : memref<1x128xi32, #tpu.memory_space<vmem>> -> memref<128xi32, #tpu.memory_space<vmem>>
        %dma_start3A_284 = arith.constant 0 : i32
        %dma_start3A_285 = arith.constant 0 : i32
        %dma_start3A_286 = tpu.memref_slice %arg3[%dma_start3A_284, %dma_start3A_285] : memref<1000000x64xf32, #tpu.memory_space<hbm>> -> memref<1000000x64xf32, #tpu.memory_space<hbm>>
        tpu.enqueue_indirect_dma source(%dma_start3A_286 : memref<1000000x64xf32, #tpu.memory_space<hbm>>) target(%dma_start3A_280 : memref<128x64xf32, #tpu.memory_space<vmem>>) offsets(%dma_start3A_283 : memref<128xi32, #tpu.memory_space<vmem>>) semaphore(%arg7 : memref<!tpu.dma_semaphore, #tpu.memory_space<semaphore_mem>>)
        %mul3A_287 = arith.constant 2 : i32
        %mul3A_288 = arith.muli %add3A_270, %mul3A_287 : i32
        %add3A_289 = arith.constant 0 : i32
        %add3A_290 = arith.addi %mul3A_288, %add3A_289 : i32
        %dma_start3A_291 = arith.constant 0 : i32
        %dma_start3A_292 = arith.constant 0 : i32
        %dma_start3A_293 = arith.constant 128 : i32
        %dma_start3A_294 = arith.constant 0 : i32
        %dma_start3A_295 = tpu.memref_slice %arg6[%dma_start3A_291, %dma_start3A_292, %dma_start3A_293, %dma_start3A_294] : memref<2x2x200x64xf32, #tpu.memory_space<vmem>> -> memref<1x1x72x64xf32, #tpu.memory_space<vmem>>
        %dma_start3A_296 = tpu.memref_squeeze %dma_start3A_295 : memref<1x1x72x64xf32, #tpu.memory_space<vmem>> -> memref<72x64xf32, #tpu.memory_space<vmem>>
        %dma_start3A_297 = arith.constant 128 : i32
        %dma_start3A_298 = tpu.memref_slice %arg5[%add3A_290, %dma_start3A_297] : memref<128x200xi32, #tpu.memory_space<vmem>> -> memref<1x72xi32, #tpu.memory_space<vmem>>
        %dma_start3A_299 = tpu.memref_squeeze %dma_start3A_298 : memref<1x72xi32, #tpu.memory_space<vmem>> -> memref<72xi32, #tpu.memory_space<vmem>>
        %dma_start3A_300 = arith.constant 0 : i32
        %dma_start3A_301 = arith.constant 0 : i32
        %dma_start3A_302 = tpu.memref_slice %arg3[%dma_start3A_300, %dma_start3A_301] : memref<1000000x64xf32, #tpu.memory_space<hbm>> -> memref<1000000x64xf32, #tpu.memory_space<hbm>>
        tpu.enqueue_indirect_dma source(%dma_start3A_302 : memref<1000000x64xf32, #tpu.memory_space<hbm>>) target(%dma_start3A_296 : memref<72x64xf32, #tpu.memory_space<vmem>>) offsets(%dma_start3A_299 : memref<72xi32, #tpu.memory_space<vmem>>) semaphore(%arg7 : memref<!tpu.dma_semaphore, #tpu.memory_space<semaphore_mem>>)
        %mul3A_303 = arith.constant 2 : i32
        %mul3A_304 = arith.muli %add3A_270, %mul3A_303 : i32
        %add3A_305 = arith.constant 1 : i32
        %add3A_306 = arith.addi %mul3A_304, %add3A_305 : i32
        %dma_start3A_307 = arith.constant 0 : i32
        %dma_start3A_308 = arith.constant 1 : i32
        %dma_start3A_309 = arith.constant 0 : i32
        %dma_start3A_310 = arith.constant 0 : i32
        %dma_start3A_311 = tpu.memref_slice %arg6[%dma_start3A_307, %dma_start3A_308, %dma_start3A_309, %dma_start3A_310] : memref<2x2x200x64xf32, #tpu.memory_space<vmem>> -> memref<1x1x128x64xf32, #tpu.memory_space<vmem>>
        %dma_start3A_312 = tpu.memref_squeeze %dma_start3A_311 : memref<1x1x128x64xf32, #tpu.memory_space<vmem>> -> memref<128x64xf32, #tpu.memory_space<vmem>>
        %dma_start3A_313 = arith.constant 0 : i32
        %dma_start3A_314 = tpu.memref_slice %arg5[%add3A_306, %dma_start3A_313] : memref<128x200xi32, #tpu.memory_space<vmem>> -> memref<1x128xi32, #tpu.memory_space<vmem>>
        %dma_start3A_315 = tpu.memref_squeeze %dma_start3A_314 : memref<1x128xi32, #tpu.memory_space<vmem>> -> memref<128xi32, #tpu.memory_space<vmem>>
        %dma_start3A_316 = arith.constant 0 : i32
        %dma_start3A_317 = arith.constant 0 : i32
        %dma_start3A_318 = tpu.memref_slice %arg3[%dma_start3A_316, %dma_start3A_317] : memref<1000000x64xf32, #tpu.memory_space<hbm>> -> memref<1000000x64xf32, #tpu.memory_space<hbm>>
        tpu.enqueue_indirect_dma source(%dma_start3A_318 : memref<1000000x64xf32, #tpu.memory_space<hbm>>) target(%dma_start3A_312 : memref<128x64xf32, #tpu.memory_space<vmem>>) offsets(%dma_start3A_315 : memref<128xi32, #tpu.memory_space<vmem>>) semaphore(%arg7 : memref<!tpu.dma_semaphore, #tpu.memory_space<semaphore_mem>>)
        %mul3A_319 = arith.constant 2 : i32
        %mul3A_320 = arith.muli %add3A_270, %mul3A_319 : i32
        %add3A_321 = arith.constant 1 : i32
        %add3A_322 = arith.addi %mul3A_320, %add3A_321 : i32
        %dma_start3A_323 = arith.constant 0 : i32
        %dma_start3A_324 = arith.constant 1 : i32
        %dma_start3A_325 = arith.constant 128 : i32
        %dma_start3A_326 = arith.constant 0 : i32
        %dma_start3A_327 = tpu.memref_slice %arg6[%dma_start3A_323, %dma_start3A_324, %dma_start3A_325, %dma_start3A_326] : memref<2x2x200x64xf32, #tpu.memory_space<vmem>> -> memref<1x1x72x64xf32, #tpu.memory_space<vmem>>
        %dma_start3A_328 = tpu.memref_squeeze %dma_start3A_327 : memref<1x1x72x64xf32, #tpu.memory_space<vmem>> -> memref<72x64xf32, #tpu.memory_space<vmem>>
        %dma_start3A_329 = arith.constant 128 : i32
        %dma_start3A_330 = tpu.memref_slice %arg5[%add3A_322, %dma_start3A_329] : memref<128x200xi32, #tpu.memory_space<vmem>> -> memref<1x72xi32, #tpu.memory_space<vmem>>
        %dma_start3A_331 = tpu.memref_squeeze %dma_start3A_330 : memref<1x72xi32, #tpu.memory_space<vmem>> -> memref<72xi32, #tpu.memory_space<vmem>>
        %dma_start3A_332 = arith.constant 0 : i32
        %dma_start3A_333 = arith.constant 0 : i32
        %dma_start3A_334 = tpu.memref_slice %arg3[%dma_start3A_332, %dma_start3A_333] : memref<1000000x64xf32, #tpu.memory_space<hbm>> -> memref<1000000x64xf32, #tpu.memory_space<hbm>>
        tpu.enqueue_indirect_dma source(%dma_start3A_334 : memref<1000000x64xf32, #tpu.memory_space<hbm>>) target(%dma_start3A_328 : memref<72x64xf32, #tpu.memory_space<vmem>>) offsets(%dma_start3A_331 : memref<72xi32, #tpu.memory_space<vmem>>) semaphore(%arg7 : memref<!tpu.dma_semaphore, #tpu.memory_space<semaphore_mem>>)
      } else {
      }
      %dma_wait3A_187 = arith.constant 0 : i32
      %dma_wait3A_188 = arith.constant 1 : i32
      %dma_wait3A_189 = arith.constant 0 : i32
      %dma_wait3A_190 = arith.constant 0 : i32
      %dma_wait3A_191 = arith.constant 0 : i32
      %dma_wait3A_192 = tpu.memref_slice %arg6[%dma_wait3A_188, %dma_wait3A_189, %dma_wait3A_190, %dma_wait3A_191] : memref<2x2x200x64xf32, #tpu.memory_space<vmem>> -> memref<1x1x128x64xf32, #tpu.memory_space<vmem>>
      %dma_wait3A_193 = tpu.memref_squeeze %dma_wait3A_192 : memref<1x1x128x64xf32, #tpu.memory_space<vmem>> -> memref<128x64xf32, #tpu.memory_space<vmem>>
      %dma_wait3A_194 = arith.constant 0 : i32
      %dma_wait3A_195 = tpu.memref_slice %arg5[%dma_wait3A_187, %dma_wait3A_194] : memref<128x200xi32, #tpu.memory_space<vmem>> -> memref<1x128xi32, #tpu.memory_space<vmem>>
      %dma_wait3A_196 = tpu.memref_squeeze %dma_wait3A_195 : memref<1x128xi32, #tpu.memory_space<vmem>> -> memref<128xi32, #tpu.memory_space<vmem>>
      %dma_wait3A_197 = arith.constant 0 : i32
      %dma_wait3A_198 = arith.constant 0 : i32
      %dma_wait3A_199 = tpu.memref_slice %arg3[%dma_wait3A_197, %dma_wait3A_198] : memref<1000000x64xf32, #tpu.memory_space<hbm>> -> memref<1000000x64xf32, #tpu.memory_space<hbm>>
      tpu.wait_indirect_dma semaphore(%arg8 : memref<!tpu.dma_semaphore, #tpu.memory_space<semaphore_mem>>) src(%dma_wait3A_199 : memref<1000000x64xf32, #tpu.memory_space<hbm>>) dst(%dma_wait3A_193 : memref<128x64xf32, #tpu.memory_space<vmem>>)
      %dma_wait3A_200 = arith.constant 0 : i32
      %dma_wait3A_201 = arith.constant 1 : i32
      %dma_wait3A_202 = arith.constant 0 : i32
      %dma_wait3A_203 = arith.constant 128 : i32
      %dma_wait3A_204 = arith.constant 0 : i32
      %dma_wait3A_205 = tpu.memref_slice %arg6[%dma_wait3A_201, %dma_wait3A_202, %dma_wait3A_203, %dma_wait3A_204] : memref<2x2x200x64xf32, #tpu.memory_space<vmem>> -> memref<1x1x72x64xf32, #tpu.memory_space<vmem>>
      %dma_wait3A_206 = tpu.memref_squeeze %dma_wait3A_205 : memref<1x1x72x64xf32, #tpu.memory_space<vmem>> -> memref<72x64xf32, #tpu.memory_space<vmem>>
      %dma_wait3A_207 = arith.constant 128 : i32
      %dma_wait3A_208 = tpu.memref_slice %arg5[%dma_wait3A_200, %dma_wait3A_207] : memref<128x200xi32, #tpu.memory_space<vmem>> -> memref<1x72xi32, #tpu.memory_space<vmem>>
      %dma_wait3A_209 = tpu.memref_squeeze %dma_wait3A_208 : memref<1x72xi32, #tpu.memory_space<vmem>> -> memref<72xi32, #tpu.memory_space<vmem>>
      %dma_wait3A_210 = arith.constant 0 : i32
      %dma_wait3A_211 = arith.constant 0 : i32
      %dma_wait3A_212 = tpu.memref_slice %arg3[%dma_wait3A_210, %dma_wait3A_211] : memref<1000000x64xf32, #tpu.memory_space<hbm>> -> memref<1000000x64xf32, #tpu.memory_space<hbm>>
      tpu.wait_indirect_dma semaphore(%arg8 : memref<!tpu.dma_semaphore, #tpu.memory_space<semaphore_mem>>) src(%dma_wait3A_212 : memref<1000000x64xf32, #tpu.memory_space<hbm>>) dst(%dma_wait3A_206 : memref<72x64xf32, #tpu.memory_space<vmem>>)
      %dma_wait3A_213 = arith.constant 1 : i32
      %dma_wait3A_214 = arith.constant 1 : i32
      %dma_wait3A_215 = arith.constant 1 : i32
      %dma_wait3A_216 = arith.constant 0 : i32
      %dma_wait3A_217 = arith.constant 0 : i32
      %dma_wait3A_218 = tpu.memref_slice %arg6[%dma_wait3A_214, %dma_wait3A_215, %dma_wait3A_216, %dma_wait3A_217] : memref<2x2x200x64xf32, #tpu.memory_space<vmem>> -> memref<1x1x128x64xf32, #tpu.memory_space<vmem>>
      %dma_wait3A_219 = tpu.memref_squeeze %dma_wait3A_218 : memref<1x1x128x64xf32, #tpu.memory_space<vmem>> -> memref<128x64xf32, #tpu.memory_space<vmem>>
      %dma_wait3A_220 = arith.constant 0 : i32
      %dma_wait3A_221 = tpu.memref_slice %arg5[%dma_wait3A_213, %dma_wait3A_220] : memref<128x200xi32, #tpu.memory_space<vmem>> -> memref<1x128xi32, #tpu.memory_space<vmem>>
      %dma_wait3A_222 = tpu.memref_squeeze %dma_wait3A_221 : memref<1x128xi32, #tpu.memory_space<vmem>> -> memref<128xi32, #tpu.memory_space<vmem>>
      %dma_wait3A_223 = arith.constant 0 : i32
      %dma_wait3A_224 = arith.constant 0 : i32
      %dma_wait3A_225 = tpu.memref_slice %arg3[%dma_wait3A_223, %dma_wait3A_224] : memref<1000000x64xf32, #tpu.memory_space<hbm>> -> memref<1000000x64xf32, #tpu.memory_space<hbm>>
      tpu.wait_indirect_dma semaphore(%arg8 : memref<!tpu.dma_semaphore, #tpu.memory_space<semaphore_mem>>) src(%dma_wait3A_225 : memref<1000000x64xf32, #tpu.memory_space<hbm>>) dst(%dma_wait3A_219 : memref<128x64xf32, #tpu.memory_space<vmem>>)
      %dma_wait3A_226 = arith.constant 1 : i32
      %dma_wait3A_227 = arith.constant 1 : i32
      %dma_wait3A_228 = arith.constant 1 : i32
      %dma_wait3A_229 = arith.constant 128 : i32
      %dma_wait3A_230 = arith.constant 0 : i32
      %dma_wait3A_231 = tpu.memref_slice %arg6[%dma_wait3A_227, %dma_wait3A_228, %dma_wait3A_229, %dma_wait3A_230] : memref<2x2x200x64xf32, #tpu.memory_space<vmem>> -> memref<1x1x72x64xf32, #tpu.memory_space<vmem>>
      %dma_wait3A_232 = tpu.memref_squeeze %dma_wait3A_231 : memref<1x1x72x64xf32, #tpu.memory_space<vmem>> -> memref<72x64xf32, #tpu.memory_space<vmem>>
      %dma_wait3A_233 = arith.constant 128 : i32
      %dma_wait3A_234 = tpu.memref_slice %arg5[%dma_wait3A_226, %dma_wait3A_233] : memref<128x200xi32, #tpu.memory_space<vmem>> -> memref<1x72xi32, #tpu.memory_space<vmem>>
      %dma_wait3A_235 = tpu.memref_squeeze %dma_wait3A_234 : memref<1x72xi32, #tpu.memory_space<vmem>> -> memref<72xi32, #tpu.memory_space<vmem>>
      %dma_wait3A_236 = arith.constant 0 : i32
      %dma_wait3A_237 = arith.constant 0 : i32
      %dma_wait3A_238 = tpu.memref_slice %arg3[%dma_wait3A_236, %dma_wait3A_237] : memref<1000000x64xf32, #tpu.memory_space<hbm>> -> memref<1000000x64xf32, #tpu.memory_space<hbm>>
      tpu.wait_indirect_dma semaphore(%arg8 : memref<!tpu.dma_semaphore, #tpu.memory_space<semaphore_mem>>) src(%dma_wait3A_238 : memref<1000000x64xf32, #tpu.memory_space<hbm>>) dst(%dma_wait3A_232 : memref<72x64xf32, #tpu.memory_space<vmem>>)
      %parallel_loop3A_239 = arith.constant 0 : i32
      %parallel_loop3A_240 = arith.constant 200 : i32
      %parallel_loop3A_241 = arith.constant 1 : i32
      scf.for %parallel_loop3A_265 = %parallel_loop3A_239 to %parallel_loop3A_240 step %parallel_loop3A_241  : i32 {
        %parallel_loop3A_266 = arith.constant 1 : i32
        %parallel_loop3A_267 = arith.constant 0 : i32
        %parallel_loop3A_268 = arith.index_cast %parallel_loop3A_266 : i32 to index
        %parallel_loop3A_269 = arith.index_cast %parallel_loop3A_267 : i32 to index
        %parallel_loop3A_270 = arith.index_cast %parallel_loop3A_265 : i32 to index
        %parallel_loop3A_271 = arith.constant 0 : index
        %parallel_loop3A_272 = tpu.vector_load %arg6[%parallel_loop3A_268, %parallel_loop3A_269, %parallel_loop3A_270, %parallel_loop3A_271] {strides = array<i32>} : memref<2x2x200x64xf32, #tpu.memory_space<vmem>>, vector<1x1x1x16xf32>,
        %parallel_loop3A_273 = vector.shape_cast %parallel_loop3A_272 : vector<1x1x1x16xf32> to vector<16xf32>
        %parallel_loop3A_274 = arith.constant 8.000000e+00 : f32
        %parallel_loop3A_275 = vector.broadcast %parallel_loop3A_274 : f32 to vector<16xf32>
        %parallel_loop3A_276 = arith.mulf %parallel_loop3A_273, %parallel_loop3A_275 : vector<16xf32>
        %parallel_loop3A_277 = arith.constant 1 : i32
        %parallel_loop3A_278 = arith.constant 0 : i32
        %parallel_loop3A_279 = arith.index_cast %parallel_loop3A_277 : i32 to index
        %parallel_loop3A_280 = arith.index_cast %parallel_loop3A_278 : i32 to index
        %parallel_loop3A_281 = arith.index_cast %parallel_loop3A_265 : i32 to index
        %parallel_loop3A_282 = arith.constant 0 : index
        %parallel_loop3A_283 = tpu.vector_load %arg6[%parallel_loop3A_279, %parallel_loop3A_280, %parallel_loop3A_281, %parallel_loop3A_282] {strides = array<i32>} : memref<2x2x200x64xf32, #tpu.memory_space<vmem>>, vector<1x1x1x16xf32>,
        %parallel_loop3A_284 = vector.shape_cast %parallel_loop3A_283 : vector<1x1x1x16xf32> to vector<16xf32>
        %parallel_loop3A_285 = vector.shape_cast %parallel_loop3A_276 : vector<16xf32> to vector<1x1x1x16xf32>
        tpu.vector_store %arg6[%parallel_loop3A_279, %parallel_loop3A_280, %parallel_loop3A_281, %parallel_loop3A_282], %parallel_loop3A_285 {strides = array<i32>} : memref<2x2x200x64xf32, #tpu.memory_space<vmem>>, vector<1x1x1x16xf32>,
        %parallel_loop3A_286 = arith.constant 1 : i32
        %parallel_loop3A_287 = arith.constant 0 : i32
        %parallel_loop3A_288 = arith.index_cast %parallel_loop3A_286 : i32 to index
        %parallel_loop3A_289 = arith.index_cast %parallel_loop3A_287 : i32 to index
        %parallel_loop3A_290 = arith.index_cast %parallel_loop3A_265 : i32 to index
        %parallel_loop3A_291 = arith.constant 16 : index
        %parallel_loop3A_292 = tpu.vector_load %arg6[%parallel_loop3A_288, %parallel_loop3A_289, %parallel_loop3A_290, %parallel_loop3A_291] {strides = array<i32>} : memref<2x2x200x64xf32, #tpu.memory_space<vmem>>, vector<1x1x1x16xf32>,
        %parallel_loop3A_293 = vector.shape_cast %parallel_loop3A_292 : vector<1x1x1x16xf32> to vector<16xf32>
        %parallel_loop3A_294 = arith.constant 8.000000e+00 : f32
        %parallel_loop3A_295 = vector.broadcast %parallel_loop3A_294 : f32 to vector<16xf32>
        %parallel_loop3A_296 = arith.mulf %parallel_loop3A_293, %parallel_loop3A_295 : vector<16xf32>
        %parallel_loop3A_297 = arith.constant 1 : i32
        %parallel_loop3A_298 = arith.constant 0 : i32
        %parallel_loop3A_299 = arith.index_cast %parallel_loop3A_297 : i32 to index
        %parallel_loop3A_300 = arith.index_cast %parallel_loop3A_298 : i32 to index
        %parallel_loop3A_301 = arith.index_cast %parallel_loop3A_265 : i32 to index
        %parallel_loop3A_302 = arith.constant 16 : index
        %parallel_loop3A_303 = tpu.vector_load %arg6[%parallel_loop3A_299, %parallel_loop3A_300, %parallel_loop3A_301, %parallel_loop3A_302] {strides = array<i32>} : memref<2x2x200x64xf32, #tpu.memory_space<vmem>>, vector<1x1x1x16xf32>,
        %parallel_loop3A_304 = vector.shape_cast %parallel_loop3A_303 : vector<1x1x1x16xf32> to vector<16xf32>
        %parallel_loop3A_305 = vector.shape_cast %parallel_loop3A_296 : vector<16xf32> to vector<1x1x1x16xf32>
        tpu.vector_store %arg6[%parallel_loop3A_299, %parallel_loop3A_300, %parallel_loop3A_301, %parallel_loop3A_302], %parallel_loop3A_305 {strides = array<i32>} : memref<2x2x200x64xf32, #tpu.memory_space<vmem>>, vector<1x1x1x16xf32>,
        %parallel_loop3A_306 = arith.constant 1 : i32
        %parallel_loop3A_307 = arith.constant 0 : i32
        %parallel_loop3A_308 = arith.index_cast %parallel_loop3A_306 : i32 to index
        %parallel_loop3A_309 = arith.index_cast %parallel_loop3A_307 : i32 to index
        %parallel_loop3A_310 = arith.index_cast %parallel_loop3A_265 : i32 to index
        %parallel_loop3A_311 = arith.constant 32 : index
        %parallel_loop3A_312 = tpu.vector_load %arg6[%parallel_loop3A_308, %parallel_loop3A_309, %parallel_loop3A_310, %parallel_loop3A_311] {strides = array<i32>} : memref<2x2x200x64xf32, #tpu.memory_space<vmem>>, vector<1x1x1x16xf32>,
        %parallel_loop3A_313 = vector.shape_cast %parallel_loop3A_312 : vector<1x1x1x16xf32> to vector<16xf32>
        %parallel_loop3A_314 = arith.constant 8.000000e+00 : f32
        %parallel_loop3A_315 = vector.broadcast %parallel_loop3A_314 : f32 to vector<16xf32>
        %parallel_loop3A_316 = arith.mulf %parallel_loop3A_313, %parallel_loop3A_315 : vector<16xf32>
        %parallel_loop3A_317 = arith.constant 1 : i32
        %parallel_loop3A_318 = arith.constant 0 : i32
        %parallel_loop3A_319 = arith.index_cast %parallel_loop3A_317 : i32 to index
        %parallel_loop3A_320 = arith.index_cast %parallel_loop3A_318 : i32 to index
        %parallel_loop3A_321 = arith.index_cast %parallel_loop3A_265 : i32 to index
        %parallel_loop3A_322 = arith.constant 32 : index
        %parallel_loop3A_323 = tpu.vector_load %arg6[%parallel_loop3A_319, %parallel_loop3A_320, %parallel_loop3A_321, %parallel_loop3A_322] {strides = array<i32>} : memref<2x2x200x64xf32, #tpu.memory_space<vmem>>, vector<1x1x1x16xf32>,
        %parallel_loop3A_324 = vector.shape_cast %parallel_loop3A_323 : vector<1x1x1x16xf32> to vector<16xf32>
        %parallel_loop3A_325 = vector.shape_cast %parallel_loop3A_316 : vector<16xf32> to vector<1x1x1x16xf32>
        tpu.vector_store %arg6[%parallel_loop3A_319, %parallel_loop3A_320, %parallel_loop3A_321, %parallel_loop3A_322], %parallel_loop3A_325 {strides = array<i32>} : memref<2x2x200x64xf32, #tpu.memory_space<vmem>>, vector<1x1x1x16xf32>,
        %parallel_loop3A_326 = arith.constant 1 : i32
        %parallel_loop3A_327 = arith.constant 0 : i32
        %parallel_loop3A_328 = arith.index_cast %parallel_loop3A_326 : i32 to index
        %parallel_loop3A_329 = arith.index_cast %parallel_loop3A_327 : i32 to index
        %parallel_loop3A_330 = arith.index_cast %parallel_loop3A_265 : i32 to index
        %parallel_loop3A_331 = arith.constant 48 : index
        %parallel_loop3A_332 = tpu.vector_load %arg6[%parallel_loop3A_328, %parallel_loop3A_329, %parallel_loop3A_330, %parallel_loop3A_331] {strides = array<i32>} : memref<2x2x200x64xf32, #tpu.memory_space<vmem>>, vector<1x1x1x16xf32>,
        %parallel_loop3A_333 = vector.shape_cast %parallel_loop3A_332 : vector<1x1x1x16xf32> to vector<16xf32>
        %parallel_loop3A_334 = arith.constant 8.000000e+00 : f32
        %parallel_loop3A_335 = vector.broadcast %parallel_loop3A_334 : f32 to vector<16xf32>
        %parallel_loop3A_336 = arith.mulf %parallel_loop3A_333, %parallel_loop3A_335 : vector<16xf32>
        %parallel_loop3A_337 = arith.constant 1 : i32
        %parallel_loop3A_338 = arith.constant 0 : i32
        %parallel_loop3A_339 = arith.index_cast %parallel_loop3A_337 : i32 to index
        %parallel_loop3A_340 = arith.index_cast %parallel_loop3A_338 : i32 to index
        %parallel_loop3A_341 = arith.index_cast %parallel_loop3A_265 : i32 to index
        %parallel_loop3A_342 = arith.constant 48 : index
        %parallel_loop3A_343 = tpu.vector_load %arg6[%parallel_loop3A_339, %parallel_loop3A_340, %parallel_loop3A_341, %parallel_loop3A_342] {strides = array<i32>} : memref<2x2x200x64xf32, #tpu.memory_space<vmem>>, vector<1x1x1x16xf32>,
        %parallel_loop3A_344 = vector.shape_cast %parallel_loop3A_343 : vector<1x1x1x16xf32> to vector<16xf32>
        %parallel_loop3A_345 = vector.shape_cast %parallel_loop3A_336 : vector<16xf32> to vector<1x1x1x16xf32>
        tpu.vector_store %arg6[%parallel_loop3A_339, %parallel_loop3A_340, %parallel_loop3A_341, %parallel_loop3A_342], %parallel_loop3A_345 {strides = array<i32>} : memref<2x2x200x64xf32, #tpu.memory_space<vmem>>, vector<1x1x1x16xf32>,
      } {sc.loop_unroll_factor = 8 : i64, sc.parallel_access}
      %parallel_loop3A_242 = arith.constant 0 : i32
      %parallel_loop3A_243 = arith.constant 200 : i32
      %parallel_loop3A_244 = arith.constant 1 : i32
      scf.for %parallel_loop3A_265 = %parallel_loop3A_242 to %parallel_loop3A_243 step %parallel_loop3A_244  : i32 {
        %parallel_loop3A_266 = arith.constant 1 : i32
        %parallel_loop3A_267 = arith.constant 1 : i32
        %parallel_loop3A_268 = arith.index_cast %parallel_loop3A_266 : i32 to index
        %parallel_loop3A_269 = arith.index_cast %parallel_loop3A_267 : i32 to index
        %parallel_loop3A_270 = arith.index_cast %parallel_loop3A_265 : i32 to index
        %parallel_loop3A_271 = arith.constant 0 : index
        %parallel_loop3A_272 = tpu.vector_load %arg6[%parallel_loop3A_268, %parallel_loop3A_269, %parallel_loop3A_270, %parallel_loop3A_271] {strides = array<i32>} : memref<2x2x200x64xf32, #tpu.memory_space<vmem>>, vector<1x1x1x16xf32>,
        %parallel_loop3A_273 = vector.shape_cast %parallel_loop3A_272 : vector<1x1x1x16xf32> to vector<16xf32>
        %parallel_loop3A_274 = arith.constant 8.000000e+00 : f32
        %parallel_loop3A_275 = vector.broadcast %parallel_loop3A_274 : f32 to vector<16xf32>
        %parallel_loop3A_276 = arith.mulf %parallel_loop3A_273, %parallel_loop3A_275 : vector<16xf32>
        %parallel_loop3A_277 = arith.constant 1 : i32
        %parallel_loop3A_278 = arith.constant 1 : i32
        %parallel_loop3A_279 = arith.index_cast %parallel_loop3A_277 : i32 to index
        %parallel_loop3A_280 = arith.index_cast %parallel_loop3A_278 : i32 to index
        %parallel_loop3A_281 = arith.index_cast %parallel_loop3A_265 : i32 to index
        %parallel_loop3A_282 = arith.constant 0 : index
        %parallel_loop3A_283 = tpu.vector_load %arg6[%parallel_loop3A_279, %parallel_loop3A_280, %parallel_loop3A_281, %parallel_loop3A_282] {strides = array<i32>} : memref<2x2x200x64xf32, #tpu.memory_space<vmem>>, vector<1x1x1x16xf32>,
        %parallel_loop3A_284 = vector.shape_cast %parallel_loop3A_283 : vector<1x1x1x16xf32> to vector<16xf32>
        %parallel_loop3A_285 = vector.shape_cast %parallel_loop3A_276 : vector<16xf32> to vector<1x1x1x16xf32>
        tpu.vector_store %arg6[%parallel_loop3A_279, %parallel_loop3A_280, %parallel_loop3A_281, %parallel_loop3A_282], %parallel_loop3A_285 {strides = array<i32>} : memref<2x2x200x64xf32, #tpu.memory_space<vmem>>, vector<1x1x1x16xf32>,
        %parallel_loop3A_286 = arith.constant 1 : i32
        %parallel_loop3A_287 = arith.constant 1 : i32
        %parallel_loop3A_288 = arith.index_cast %parallel_loop3A_286 : i32 to index
        %parallel_loop3A_289 = arith.index_cast %parallel_loop3A_287 : i32 to index
        %parallel_loop3A_290 = arith.index_cast %parallel_loop3A_265 : i32 to index
        %parallel_loop3A_291 = arith.constant 16 : index
        %parallel_loop3A_292 = tpu.vector_load %arg6[%parallel_loop3A_288, %parallel_loop3A_289, %parallel_loop3A_290, %parallel_loop3A_291] {strides = array<i32>} : memref<2x2x200x64xf32, #tpu.memory_space<vmem>>, vector<1x1x1x16xf32>,
        %parallel_loop3A_293 = vector.shape_cast %parallel_loop3A_292 : vector<1x1x1x16xf32> to vector<16xf32>
        %parallel_loop3A_294 = arith.constant 8.000000e+00 : f32
        %parallel_loop3A_295 = vector.broadcast %parallel_loop3A_294 : f32 to vector<16xf32>
        %parallel_loop3A_296 = arith.mulf %parallel_loop3A_293, %parallel_loop3A_295 : vector<16xf32>
        %parallel_loop3A_297 = arith.constant 1 : i32
        %parallel_loop3A_298 = arith.constant 1 : i32
        %parallel_loop3A_299 = arith.index_cast %parallel_loop3A_297 : i32 to index
        %parallel_loop3A_300 = arith.index_cast %parallel_loop3A_298 : i32 to index
        %parallel_loop3A_301 = arith.index_cast %parallel_loop3A_265 : i32 to index
        %parallel_loop3A_302 = arith.constant 16 : index
        %parallel_loop3A_303 = tpu.vector_load %arg6[%parallel_loop3A_299, %parallel_loop3A_300, %parallel_loop3A_301, %parallel_loop3A_302] {strides = array<i32>} : memref<2x2x200x64xf32, #tpu.memory_space<vmem>>, vector<1x1x1x16xf32>,
        %parallel_loop3A_304 = vector.shape_cast %parallel_loop3A_303 : vector<1x1x1x16xf32> to vector<16xf32>
        %parallel_loop3A_305 = vector.shape_cast %parallel_loop3A_296 : vector<16xf32> to vector<1x1x1x16xf32>
        tpu.vector_store %arg6[%parallel_loop3A_299, %parallel_loop3A_300, %parallel_loop3A_301, %parallel_loop3A_302], %parallel_loop3A_305 {strides = array<i32>} : memref<2x2x200x64xf32, #tpu.memory_space<vmem>>, vector<1x1x1x16xf32>,
        %parallel_loop3A_306 = arith.constant 1 : i32
        %parallel_loop3A_307 = arith.constant 1 : i32
        %parallel_loop3A_308 = arith.index_cast %parallel_loop3A_306 : i32 to index
        %parallel_loop3A_309 = arith.index_cast %parallel_loop3A_307 : i32 to index
        %parallel_loop3A_310 = arith.index_cast %parallel_loop3A_265 : i32 to index
        %parallel_loop3A_311 = arith.constant 32 : index
        %parallel_loop3A_312 = tpu.vector_load %arg6[%parallel_loop3A_308, %parallel_loop3A_309, %parallel_loop3A_310, %parallel_loop3A_311] {strides = array<i32>} : memref<2x2x200x64xf32, #tpu.memory_space<vmem>>, vector<1x1x1x16xf32>,
        %parallel_loop3A_313 = vector.shape_cast %parallel_loop3A_312 : vector<1x1x1x16xf32> to vector<16xf32>
        %parallel_loop3A_314 = arith.constant 8.000000e+00 : f32
        %parallel_loop3A_315 = vector.broadcast %parallel_loop3A_314 : f32 to vector<16xf32>
        %parallel_loop3A_316 = arith.mulf %parallel_loop3A_313, %parallel_loop3A_315 : vector<16xf32>
        %parallel_loop3A_317 = arith.constant 1 : i32
        %parallel_loop3A_318 = arith.constant 1 : i32
        %parallel_loop3A_319 = arith.index_cast %parallel_loop3A_317 : i32 to index
        %parallel_loop3A_320 = arith.index_cast %parallel_loop3A_318 : i32 to index
        %parallel_loop3A_321 = arith.index_cast %parallel_loop3A_265 : i32 to index
        %parallel_loop3A_322 = arith.constant 32 : index
        %parallel_loop3A_323 = tpu.vector_load %arg6[%parallel_loop3A_319, %parallel_loop3A_320, %parallel_loop3A_321, %parallel_loop3A_322] {strides = array<i32>} : memref<2x2x200x64xf32, #tpu.memory_space<vmem>>, vector<1x1x1x16xf32>,
        %parallel_loop3A_324 = vector.shape_cast %parallel_loop3A_323 : vector<1x1x1x16xf32> to vector<16xf32>
        %parallel_loop3A_325 = vector.shape_cast %parallel_loop3A_316 : vector<16xf32> to vector<1x1x1x16xf32>
        tpu.vector_store %arg6[%parallel_loop3A_319, %parallel_loop3A_320, %parallel_loop3A_321, %parallel_loop3A_322], %parallel_loop3A_325 {strides = array<i32>} : memref<2x2x200x64xf32, #tpu.memory_space<vmem>>, vector<1x1x1x16xf32>,
        %parallel_loop3A_326 = arith.constant 1 : i32
        %parallel_loop3A_327 = arith.constant 1 : i32
        %parallel_loop3A_328 = arith.index_cast %parallel_loop3A_326 : i32 to index
        %parallel_loop3A_329 = arith.index_cast %parallel_loop3A_327 : i32 to index
        %parallel_loop3A_330 = arith.index_cast %parallel_loop3A_265 : i32 to index
        %parallel_loop3A_331 = arith.constant 48 : index
        %parallel_loop3A_332 = tpu.vector_load %arg6[%parallel_loop3A_328, %parallel_loop3A_329, %parallel_loop3A_330, %parallel_loop3A_331] {strides = array<i32>} : memref<2x2x200x64xf32, #tpu.memory_space<vmem>>, vector<1x1x1x16xf32>,
        %parallel_loop3A_333 = vector.shape_cast %parallel_loop3A_332 : vector<1x1x1x16xf32> to vector<16xf32>
        %parallel_loop3A_334 = arith.constant 8.000000e+00 : f32
        %parallel_loop3A_335 = vector.broadcast %parallel_loop3A_334 : f32 to vector<16xf32>
        %parallel_loop3A_336 = arith.mulf %parallel_loop3A_333, %parallel_loop3A_335 : vector<16xf32>
        %parallel_loop3A_337 = arith.constant 1 : i32
        %parallel_loop3A_338 = arith.constant 1 : i32
        %parallel_loop3A_339 = arith.index_cast %parallel_loop3A_337 : i32 to index
        %parallel_loop3A_340 = arith.index_cast %parallel_loop3A_338 : i32 to index
        %parallel_loop3A_341 = arith.index_cast %parallel_loop3A_265 : i32 to index
        %parallel_loop3A_342 = arith.constant 48 : index
        %parallel_loop3A_343 = tpu.vector_load %arg6[%parallel_loop3A_339, %parallel_loop3A_340, %parallel_loop3A_341, %parallel_loop3A_342] {strides = array<i32>} : memref<2x2x200x64xf32, #tpu.memory_space<vmem>>, vector<1x1x1x16xf32>,
        %parallel_loop3A_344 = vector.shape_cast %parallel_loop3A_343 : vector<1x1x1x16xf32> to vector<16xf32>
        %parallel_loop3A_345 = vector.shape_cast %parallel_loop3A_336 : vector<16xf32> to vector<1x1x1x16xf32>
        tpu.vector_store %arg6[%parallel_loop3A_339, %parallel_loop3A_340, %parallel_loop3A_341, %parallel_loop3A_342], %parallel_loop3A_345 {strides = array<i32>} : memref<2x2x200x64xf32, #tpu.memory_space<vmem>>, vector<1x1x1x16xf32>,
      } {sc.loop_unroll_factor = 8 : i64, sc.parallel_access}
      %mul3A_245 = arith.constant 2 : i32
      %mul3A_246 = arith.muli %add3A_179, %mul3A_245 : i32
      %add3A_247 = arith.addi %mul3A_2, %mul3A_246 : i32
      %dma_start3A_248 = arith.constant 1 : i32
      %dma_start3A_249 = arith.constant 0 : i32
      %dma_start3A_250 = arith.constant 0 : i32
      %dma_start3A_251 = arith.constant 0 : i32
      %dma_start3A_252 = tpu.memref_slice %arg6[%dma_start3A_248, %dma_start3A_249, %dma_start3A_250, %dma_start3A_251] : memref<2x2x200x64xf32, #tpu.memory_space<vmem>> -> memref<1x2x200x64xf32, #tpu.memory_space<vmem>>
      %dma_start3A_253 = tpu.memref_squeeze %dma_start3A_252 : memref<1x2x200x64xf32, #tpu.memory_space<vmem>> -> memref<2x200x64xf32, #tpu.memory_space<vmem>>
      %dma_start3A_254 = arith.constant 0 : i32
      %dma_start3A_255 = arith.constant 0 : i32
      %dma_start3A_256 = tpu.memref_slice %arg4[%add3A_247, %dma_start3A_254, %dma_start3A_255] : memref<4096x200x64xf32, #tpu.memory_space<hbm>> -> memref<2x200x64xf32, #tpu.memory_space<hbm>>
      %dma_start3A_257 = arith.constant 0 : i32
      %dma_start3A_258 = arith.constant 0 : i32
      %dma_start3A_259 = tpu.memref_slice %arg4[%add3A_247, %dma_start3A_257, %dma_start3A_258] : memref<4096x200x64xf32, #tpu.memory_space<hbm>> -> memref<2x200x64xf32, #tpu.memory_space<hbm>>
      %dma_start3A_260 = arith.constant 0 : i32
      %dma_start3A_261 = arith.constant 0 : i32
      %dma_start3A_262 = arith.constant 0 : i32
      %dma_start3A_263 = tpu.memref_slice %arg6[%dma_start3A_248, %dma_start3A_260, %dma_start3A_261, %dma_start3A_262] : memref<2x2x200x64xf32, #tpu.memory_space<vmem>> -> memref<1x2x200x64xf32, #tpu.memory_space<vmem>>
      %dma_start3A_264 = tpu.memref_squeeze %dma_start3A_263 : memref<1x2x200x64xf32, #tpu.memory_space<vmem>> -> memref<2x200x64xf32, #tpu.memory_space<vmem>>
      tpu.enqueue_dma source(%dma_start3A_264 : memref<2x200x64xf32, #tpu.memory_space<vmem>>) target(%dma_start3A_259 : memref<2x200x64xf32, #tpu.memory_space<hbm>>) target_semaphore(%arg10 : memref<!tpu.dma_semaphore, #tpu.memory_space<semaphore_mem>>)
    }
    %scan3A_58 = arith.constant 32 : i32
    %dma_wait3A = arith.constant 0 : i32
    %dma_wait3A_59 = arith.constant 0 : i32
    %dma_wait3A_60 = arith.constant 0 : i32
    %dma_wait3A_61 = arith.constant 0 : i32
    %dma_wait3A_62 = tpu.memref_slice %arg6[%dma_wait3A, %dma_wait3A_59, %dma_wait3A_60, %dma_wait3A_61] : memref<2x2x200x64xf32, #tpu.memory_space<vmem>> -> memref<1x2x200x64xf32, #tpu.memory_space<vmem>>
    %dma_wait3A_63 = tpu.memref_squeeze %dma_wait3A_62 : memref<1x2x200x64xf32, #tpu.memory_space<vmem>> -> memref<2x200x64xf32, #tpu.memory_space<vmem>>
    %dma_wait3A_64 = arith.constant 0 : i32
    %dma_wait3A_65 = arith.constant 0 : i32
    %dma_wait3A_66 = tpu.memref_slice %arg4[%mul3A_2, %dma_wait3A_64, %dma_wait3A_65] : memref<4096x200x64xf32, #tpu.memory_space<hbm>> -> memref<2x200x64xf32, #tpu.memory_space<hbm>>
    %dma_wait3A_67 = arith.constant 0 : i32
    %dma_wait3A_68 = arith.constant 0 : i32
    %dma_wait3A_69 = tpu.memref_slice %arg4[%mul3A_2, %dma_wait3A_67, %dma_wait3A_68] : memref<4096x200x64xf32, #tpu.memory_space<hbm>> -> memref<2x200x64xf32, #tpu.memory_space<hbm>>
    %dma_wait3A_70 = arith.constant 0 : i32
    %dma_wait3A_71 = arith.constant 0 : i32
    %dma_wait3A_72 = arith.constant 0 : i32
    %dma_wait3A_73 = tpu.memref_slice %arg6[%dma_wait3A, %dma_wait3A_70, %dma_wait3A_71, %dma_wait3A_72] : memref<2x2x200x64xf32, #tpu.memory_space<vmem>> -> memref<1x2x200x64xf32, #tpu.memory_space<vmem>>
    %dma_wait3A_74 = tpu.memref_squeeze %dma_wait3A_73 : memref<1x2x200x64xf32, #tpu.memory_space<vmem>> -> memref<2x200x64xf32, #tpu.memory_space<vmem>>
    tpu.wait_dma2 semaphore(%arg9 : memref<!tpu.dma_semaphore, #tpu.memory_space<semaphore_mem>>) src(%dma_wait3A_74 : memref<2x200x64xf32, #tpu.memory_space<vmem>>) dst(%dma_wait3A_69 : memref<2x200x64xf32, #tpu.memory_space<hbm>>)
    %dma_wait3A_75 = arith.constant 1 : i32
    %dma_wait3A_76 = arith.constant 0 : i32
    %dma_wait3A_77 = arith.constant 0 : i32
    %dma_wait3A_78 = arith.constant 0 : i32
    %dma_wait3A_79 = tpu.memref_slice %arg6[%dma_wait3A_75, %dma_wait3A_76, %dma_wait3A_77, %dma_wait3A_78] : memref<2x2x200x64xf32, #tpu.memory_space<vmem>> -> memref<1x2x200x64xf32, #tpu.memory_space<vmem>>
    %dma_wait3A_80 = tpu.memref_squeeze %dma_wait3A_79 : memref<1x2x200x64xf32, #tpu.memory_space<vmem>> -> memref<2x200x64xf32, #tpu.memory_space<vmem>>
    %dma_wait3A_81 = arith.constant 0 : i32
    %dma_wait3A_82 = arith.constant 0 : i32
    %dma_wait3A_83 = tpu.memref_slice %arg4[%mul3A_2, %dma_wait3A_81, %dma_wait3A_82] : memref<4096x200x64xf32, #tpu.memory_space<hbm>> -> memref<2x200x64xf32, #tpu.memory_space<hbm>>
    %dma_wait3A_84 = arith.constant 0 : i32
    %dma_wait3A_85 = arith.constant 0 : i32
    %dma_wait3A_86 = tpu.memref_slice %arg4[%mul3A_2, %dma_wait3A_84, %dma_wait3A_85] : memref<4096x200x64xf32, #tpu.memory_space<hbm>> -> memref<2x200x64xf32, #tpu.memory_space<hbm>>
    %dma_wait3A_87 = arith.constant 0 : i32
    %dma_wait3A_88 = arith.constant 0 : i32
    %dma_wait3A_89 = arith.constant 0 : i32
    %dma_wait3A_90 = tpu.memref_slice %arg6[%dma_wait3A_75, %dma_wait3A_87, %dma_wait3A_88, %dma_wait3A_89] : memref<2x2x200x64xf32, #tpu.memory_space<vmem>> -> memref<1x2x200x64xf32, #tpu.memory_space<vmem>>
    %dma_wait3A_91 = tpu.memref_squeeze %dma_wait3A_90 : memref<1x2x200x64xf32, #tpu.memory_space<vmem>> -> memref<2x200x64xf32, #tpu.memory_space<vmem>>
    tpu.wait_dma2 semaphore(%arg10 : memref<!tpu.dma_semaphore, #tpu.memory_space<semaphore_mem>>) src(%dma_wait3A_91 : memref<2x200x64xf32, #tpu.memory_space<vmem>>) dst(%dma_wait3A_86 : memref<2x200x64xf32, #tpu.memory_space<hbm>>)
    return
  }
}

</mosaic_0001>

<sc_bundles>
// kernel: _embed.3.cloned.1.call-start
scs
__scs_entry_jumppad:
0x0: {  	(pc) =	sbr.rel $0x88, $3  }
0x1: {  	(tag) =	ssettag $0x0;
	lr =	simm.s32 $0x1  }
0x2: {  	[smem:$0x3F9F] =	sst lr;
	_ =	strace $0xD0000000  }
0x3: {  	_ = 	snop  }
0x4: {  	_ = 	snop  }
0x5: {  	_ = 	snop  }
0x6: {  	_ = 	snop  }
0x7: {  	_ = 	snop  }
__scs_overlays_trampoline_lowered:
0x8: {  	[smem:$0x3FAE] =	sst s0  }
0x9: {  	[smem:$0x3FAF] =	sst s1  }
0xa: {  	[smem:$0x3FB0] =	sst s2  }
0xb: {  	[smem:$0x3FB1] =	sst s3  }
0xc: {  	[smem:$0x3FB2] =	sst s4  }
0xd: {  	[smem:$0x3FB3] =	sst s5  }
0xe: {  	[smem:$0x3FB4] =	sst s6  }
0xf: {  	[smem:$0x3FB5] =	sst s7  }
0x10: {  	[smem:$0x3FB6] =	sst s8  }
0x11: {  	[smem:$0x3FB7] =	sst s9;
	s0 =	simm.s32 @!p0 $0x0  }
0x12: {  	s1 =	sld [smem:$0x3F9D];
	s0 =	simm.s32 @p0 $0x1  }
0x13: {  	[smem:$0x3FB8] =	sst s0;
	s0 =	simm.s32 @!p1 $0x0  }
0x14: {  	s2 =	sld [smem:$0x3F9C];
	s0 =	simm.s32 @p1 $0x1  }
0x15: {  	[smem:$0x3FB9] =	sst s0;
	s0 =	simm.s32 @!p2 $0x0  }
0x16: {  	s3 =	sld [smem:$0x3FDB];
	s0 =	simm.s32 @p2 $0x1  }
0x17: {  	s4 =	simm.s32 $0x1BF5;
	[smem:$0x3FBB] =	sst s0  }
0x18: {  	s0 =	sld [smem:$0x3F9E];
	_ =	swait.ge [sflag:s4], $0x0  }
0x19: {  	s7 =	sld [smem:$0x3F9F]  }
0x1a: {  	s8 =	sadd.s32 $0xFFFFE003, lr  }
0x1b: {  	s9 =	sadd.s32 $0xFFFFFEF7, lr;
	s5 =	simm.s32 $0xFFFFFFFF;
	p2 =	slt.u32 s8, $0xFFFFF086  }
0x1c: {  	p1 =	slt.u32 s9, $0xF7A;
	s5 =	simm.s32 @!p2 $0x0  }
0x1d: {  	s5 =	simm.s32 @p1 $0x1;
	p0 =	seq.s32 s7, s2  }
0x1e: {  	s7 =	smul.u32 @!p0 $0xF7A, s2;
	p2 =	seq.s32 @!p0 s5, $0x0  }
0x1f: {  	s9 =	smul.u32 $0xF7A, s1;
	s8 =	simm.s32 @!p0 $0x1BF5;
	p2 =	por !p2, p0  }
0x20: {  	[sflag:s8] =	ssyncset.s32 @!p0 $0xFFFFF086;
	s6 =	sadd.s32 @!p0 s3, s7;
	s7 =	simm.s32 @!p0 $0x108  }
0x21: {  	s3 =	sadd.s32 s3, s9;
	s6 =	sadd.s32 @!p0 $0x88, s6;
	s7 =	simm.s32 @p2 $0x1082  }
0x22: {  	[simem:s7], [sflag:s8] =	dma.local @!p0 [hbm:s6], $0xF7A  }
0x23: {  	s9 =	sor.u32 $0xD0000000, s2;
	s6 =	simm.s32 $0x108;
	_ =	swait.ge @!p0 [sflag:s8], $0x0  }
0x24: {  	s3 =	sadd.s32 $0x88, s3;
	s6 =	simm.s32 @!p1 $0x1082;
	[sflag:s4] =	ssyncset.s32 $0xFFFFF086  }
0x25: {  	[simem:s6], [sflag:s4] =	dma.local [hbm:s3], $0xF7A  }
0x26: {  	[smem:$0x3F9F] =	sst s1;
	(tag) =	ssettag s2;
	_ =	strace s9  }
0x27: {  	s1 =	sld [smem:$0x3FAF]  }
0x28: {  	s2 =	sld [smem:$0x3FB0]  }
0x29: {  	s4 =	sld [smem:$0x3FB2]  }
0x2a: {  	p0 =	seq.s32 s5, $0x0;
	s5 =	sld [smem:$0x3FB3]  }
0x2b: {  	s6 =	sld [smem:$0x3FB4]  }
0x2c: {  	s7 =	sld [smem:$0x3FB5]  }
0x2d: {  	s3 =	simm.s32 $0x108;
	s8 =	sld [smem:$0x3FB6]  }
0x2e: {  	s3 =	simm.s32 @!p0 $0x1082;
	s9 =	sld [smem:$0x3FB7]  }
0x2f: {  	lr =	sadd.s32 s0, s3;
	s0 =	sld [smem:$0x3FAE]  }
0x30: {  	s3 =	sld [smem:$0x3FB1]  }
0x31: {  	[smem:$0x3FBA] =	sst s10  }
0x32: {  	s10 =	sld [smem:$0x3FB8];
	_ =	sdelay $0x3  }
0x33: {  	p0 =	seq.s32 s10, $0x1;
	s10 =	sld [smem:$0x3FBA];
	_ =	sdelay $0x3  }
0x34: {  	[smem:$0x3FBA] =	sst s10  }
0x35: {  	s10 =	sld [smem:$0x3FB9];
	_ =	sdelay $0x3  }
0x36: {  	p1 =	seq.s32 s10, $0x1;
	s10 =	sld [smem:$0x3FBA];
	_ =	sdelay $0x3  }
0x37: {  	[smem:$0x3FBA] =	sst s10  }
0x38: {  	s10 =	sld [smem:$0x3FBB]  }
0x39: {  	_ = 	snop;
	(pc) =	sbr.ind lr, $3  }
0x3a: {  	_ = 	snop  }
0x3b: {  	_ = 	snop  }
0x3c: {  	p2 =	seq.s32 s10, $0x1;
	s10 =	sld [smem:$0x3FBA]  }
0x3d: {  	_ =	shalt  }
0x3e: {  	_ =	shalt  }
0x3f: {  	_ =	shalt  }
0x40: {  	_ =	shalt  }
0x41: {  	_ =	shalt  }
0x42: {  	_ =	shalt  }
0x43: {  	_ =	shalt  }
0x44: {  	_ =	shalt  }
0x45: {  	_ =	shalt  }
0x46: {  	_ =	shalt  }
0x47: {  	_ =	shalt  }
0x48: {  	_ =	shalt  }
0x49: {  	_ =	shalt  }
0x4a: {  	_ =	shalt  }
0x4b: {  	_ =	shalt  }
0x4c: {  	_ =	shalt  }
0x4d: {  	_ =	shalt  }
0x4e: {  	_ =	shalt  }
0x4f: {  	_ =	shalt  }
0x50: {  	_ =	shalt  }
0x51: {  	_ =	shalt  }
0x52: {  	_ =	shalt  }
0x53: {  	_ =	shalt  }
0x54: {  	_ =	shalt  }
0x55: {  	_ =	shalt  }
0x56: {  	_ =	shalt  }
0x57: {  	_ =	shalt  }
0x58: {  	_ =	shalt  }
0x59: {  	_ =	shalt  }
0x5a: {  	_ =	shalt  }
0x5b: {  	_ =	shalt  }
0x5c: {  	_ =	shalt  }
0x5d: {  	_ =	shalt  }
0x5e: {  	_ =	shalt  }
0x5f: {  	_ =	shalt  }
0x60: {  	_ =	shalt  }
0x61: {  	_ =	shalt  }
0x62: {  	_ =	shalt  }
0x63: {  	_ =	shalt  }
0x64: {  	_ =	shalt  }
0x65: {  	_ =	shalt  }
0x66: {  	_ =	shalt  }
0x67: {  	_ =	shalt  }
0x68: {  	_ =	shalt  }
0x69: {  	_ =	shalt  }
0x6a: {  	_ =	shalt  }
0x6b: {  	_ =	shalt  }
0x6c: {  	_ =	shalt  }
0x6d: {  	_ =	shalt  }
0x6e: {  	_ =	shalt  }
0x6f: {  	_ =	shalt  }
0x70: {  	_ =	shalt  }
0x71: {  	_ =	shalt  }
0x72: {  	_ =	shalt  }
0x73: {  	_ =	shalt  }
0x74: {  	_ =	shalt  }
0x75: {  	_ =	shalt  }
0x76: {  	_ =	shalt  }
0x77: {  	_ =	shalt  }
0x78: {  	_ =	shalt  }
0x79: {  	_ =	shalt  }
0x7a: {  	_ =	shalt  }
0x7b: {  	_ =	shalt  }
0x7c: {  	_ =	shalt  }
0x7d: {  	_ =	shalt  }
0x7e: {  	_ =	shalt  }
0x7f: {  	_ =	shalt  }
0x80: {  	_ =	shalt  }
0x81: {  	_ =	shalt  }
0x82: {  	_ =	shalt  }
0x83: {  	_ =	shalt  }
0x84: {  	_ =	shalt  }
0x85: {  	_ =	shalt  }
0x86: {  	_ =	shalt  }
0x87: {  	_ =	shalt  }
.Lfunc_end0:
.L_simem_size_0:
called_computation.1_lowered:
.L_overlay_start_0:
0x88: {  	s2 =	sld [smem:$0x3FD9]  }
0x89: {  	s3 =	sld [smem:$0x3FFE];
	_ =	sdelay $0x1  }
0x8a: {  	s1 =	srdreg.scid  }
0x8b: {  	s0 =	sand.u32 $0x1, s1  }
0x8c: {  	s17 =	sshll.u32 s0, $0xA;
	s2 =	sadd.s32 s3, s2  }
0x8d: {  	s2 =	sadd.s32 s2, s17  }
0x8e: {  	[smem:$0x3FC6] =	sst s2  }
0x8f: {  	_ = 	snop  }
0x90: {  	s2 =	sld [smem:$0x3FD0];
	(tm) =	ssettm $0x1  }
0x91: {  	s18 =	sld [smem:$0x3FFB];
	_ =	sdelay $0x3  }
0x92: {  	_ =	strace s18  }
0x93: {  	s3 =	sld [smem:$0x3FFC];
	_ =	sdelay $0x3  }
0x94: {  	_ =	strace s3  }
0x95: {  	s3 =	sld [smem:$0x3FFD];
	_ =	sdelay $0x3  }
0x96: {  	_ =	strace s3  }
0x97: {  	_ =	strace $0x8FFFFFFF  }
0x98: {  	s19 =	sld [smem:$0x3FDB];
	_ =	sdelay $0x1  }
0x99: {  	s4 =	simm.s32 $_scs_section_size  }
0x9a: {  	s5 =	simm.s32 $_size__tile_overlayer_lowered;
	s6 =	simm.s32 $_tile_overlayer_lowered  }
0x9b: {  	s22 =	simm.s32 $0x1BFF;
	s21 =	sshll.u32 s6, $0x1;
	s3 =	sadd.s32 s4, s19  }
0x9c: {  	s7 =	simm.s32 $0x0;
	s20 =	sshll.u32 s5, $0x1;
	s5 =	sadd.s32 s21, s3  }
0x9d: {  	[timem:s7], [sflag:s22] =	dma.local [hbm:s5], s20  }
0x9e: {  	_ =	swait.ge [sflag:s22], s20  }
0x9f: {  	s4 =	ssub.s32 $0x0, s20;
	[sflag:s22] =	ssyncset.done $0x0  }
0xa0: {  	[sflag:s22] =	ssyncadd.s32 s4;
	_ =	sdelay $0x1  }
0xa1: {  	s23 =	simm.s32 $0x1B8B  }
0xa2: {  	_ =	swait.ge [sflag:s23], $0x1  }
0xa3: {  	[sflag:s23] =	ssyncset.done $0x0  }
0xa4: {  	s25 =	simm.s32 $0x1B8E;
	s24 =	sld [smem:$0x3FFE];
	[sflag:s23] =	ssyncadd.s32 $0xFFFFFFFF  }
0xa5: {  	s26 =	simm.s32 $execute0_lowered;
	[smem:$0x3FD2] =	sst s25  }
0xa6: {  	s5 =	sshll.u32 s26, $0x1;
	_ =	strace $0x80000046;
	[dreg:$0x1] =	wrdreg $0xFFFFFFFF  }
0xa7: {  	s28 =	simm.s32 $_size_execute0_lowered;
	s3 =	sadd.s32 s3, s5;
	[dreg:$0x0] =	wrdreg $0x0  }
0xa8: {  	s5 =	sshll.u32 s28, $0x1;
	[dreg:$0x2] =	wrdreg s3  }
0xa9: {  	[dreg:$0x3] =	wrdreg s5  }
0xaa: {  	[dreg:$0x4] =	wrdreg $0xC0  }
0xab: {  	_ =	task [dreg:s7], $0x5FFFF  }
0xac: {  	[dreg:$0x1] =	wrdreg $0xFFFFFFFF  }
0xad: {  	[dreg:$0x0] =	wrdreg $0x60  }
0xae: {  	[dreg:$0x2] =	wrdreg s24  }
0xaf: {  	[dreg:$0x3] =	wrdreg s2  }
0xb0: {  	[dreg:$0x4] =	wrdreg $0x9  }
0xb1: {  	_ =	task.clear_ibuf [dreg:s7], $0x5FFFF;
	_ =	strace $0x90000046  }
0xb2: {  	s29 =	simm.s32 $0x9;
	_ =	strace $0x80000048  }
0xb3: {  	_ =	swait.ge [sflag:s29], $0x1  }
0xb4: {  	[sflag:s29] =	ssyncadd.s32 $0xFFFFFFFF  }
0xb5: {  	_ =	strace $0x90000048  }
0xb6: {  	_ =	sfence  }
0xb7: {  	s30 =	sld [smem:$0x0];
	_ =	sdelay $0x2  }
0xb8: {  	s31 =	sshll.u32 s1, $0xD;
	s1 =	sshrl.u32 s1, $0x2  }
0xb9: {  	s3 =	sand.u32 $0x4000, s31;
	s1 =	sadd.s32 s1, s30  }
0xba: {  	s0 =	sor.u32 s3, s0;
	s1 =	sshll.u32 s1, $0x11  }
0xbb: {  	s0 =	sor.u32 s1, s0  }
0xbc: {  	s0 =	sadd.s32 $0x8F2B, s0  }
0xbd: {  	[sflag:s0] =	ssyncadd.remote.s32 $0x1  }
0xbe: {  	_ =	sfence.sel $0xFFFF  }
0xbf: {  	[dreg:$0x0] =	wrdreg $0xFFFFFFFF;
	(pc) =	sbr.abs _section_cstart, $3  }
0xc0: {  	[dreg:$0x1] =	wrdreg $0xFFFFFFFF  }
0xc1: {  	_ =	task.clear_ibuf [dreg:s7], $0x2FFFF;
	_ =	strace $0x9FFFFFFF  }
0xc2: {  	(tm) =	ssettm $0x7FFFFFFF  }
0xc3: {  	_ =	shalt  }
tec
execute0_lowered:
.L_overlay_start_1:
0x0: {  	(tag) =	ssettag $0x1  }
0x1: {  	s1 =	srdreg.scid;
	s5 =	rddreg [dreg:$0x0]  }
0x2: {  	s0 =	stileid.u32;
	s2 =	rddreg [dreg:$0x1]  }
0x3: {  	s8 =	simm.s32 $0x5;
	s9 =	simm.s32 $0x80;
	s10 =	simm.s32 $0x6400  }
0x4: {  	s11 =	simm.s32 $0x48;
	s12 =	simm.s32 $0x8400;
	s13 =	simm.s32 $0xC8  }
0x5: {  	s14 =	simm.s32 $0x9600;
	s15 =	simm.s32 $0x148;
	s16 =	simm.s32 $0xB600  }
0x6: {  	s17 =	simm.s32 $0xC800;
	s18 =	simm.s32 $0xE800;
	s19 =	simm.s32 $0xFA00  }
0x7: {  	s20 =	simm.s32 $0x11A00;
	s21 =	simm.s32 $0x1;
	s1 =	sand.u32 $0x1, s1  }
0x8: {  	s22 =	simm.s32 $0x2;
	s3 =	sshll.u32 s0, $0x8;
	s4 =	sshll.u32 s1, $0x7  }
0x9: {  	s23 =	simm.s32 $0x3;
	s24 =	simm.s32 $0x4;
	s3 =	sor.u32 s4, s3  }
0xa: {  	s1 =	ssub.s32 $0x2, s1;
	s4 =	simm.s32 $0x0;
	s6 =	smul.u32 $0x19, s3  }
0xb: {  	s25 =	simm.s32 $0x0;
	s7 =	sshrl.u32 s1, $0x1;
	[smem:$0x7FF] =	sst s4  }
0xc: {  	s1 =	ssub.s32 s1, s7;
	_ =	strace $0x80000047;
	s6 =	sadd.s32 s6, s5  }
0xd: {  	s7 =	smax.u32 s1, $0x1;
	s5 =	sadd.s32 $0xF42E00, s5;
	s6 =	sadd.s32 $0xA00, s6  }
.LBB2_1:
0xe: {  	[tilespmem:s4], [sflag:$0x5] =	stream.linear.gather [hbm4b:s6+s4], $0x6400, $0x38;
	[tilespmem:$0x12C00] =	vst v63  }
0xf: {  	_ =	swait.ge [sflag:s8], $0x6400  }
0x10: {  	[sflag:s8] =	ssyncset.done $0x0  }
0x11: {  	[sflag:s8] =	ssyncadd.s32 $0xFFFF9C00  }
0x12: {  	[tilespmem:s10], [sflag:$0x1] =	stream.indirect.gather [hbm4b:s5+s9], $0x40, s4, s9, $0xb8;
	[tilespmem:$0x12C00] =	vst v63  }
0x13: {  	_ = 	snop  }
0x14: {  	[tilespmem:s12], [sflag:$0x1] =	stream.indirect.gather [hbm4b:s5+s11], $0x40, s9, s11, $0xb8;
	[tilespmem:$0x12C00] =	vst v63  }
0x15: {  	_ = 	snop  }
0x16: {  	[tilespmem:s14], [sflag:$0x1] =	stream.indirect.gather [hbm4b:s5+s9], $0x40, s13, s9, $0xb8;
	[tilespmem:$0x12C00] =	vst v63  }
0x17: {  	s26 =	simm.s32 $0x0  }
0x18: {  	[tilespmem:s16], [sflag:$0x1] =	stream.indirect.gather [hbm4b:s5+s11], $0x40, s15, s11, $0xb8;
	[tilespmem:$0x12C00] =	vst v63  }
.LBB2_2:
0x19: {  	p0 =	seq.s32 s26, $0x0  }
0x1a: {  	s28 =	sshllo.u32 s26, $0x1;
	s1 =	simm.s32 @!p0 $0x4  }
0x1b: {  	s29 =	smul.u32 $0x640, s28;
	_ =	swait.ge @!p0 [sflag:s1], $0x6400  }
0x1c: {  	[sflag:s1] =	ssyncset.done @!p0 $0x0  }
0x1d: {  	s0 =	sshra.s32 s29, $0x2;
	[sflag:s1] =	ssyncadd.s32 @!p0 $0xFFFF9C00  }
0x1e: {  	[tilespmem:s17], [sflag:$0x2] =	stream.indirect.gather [hbm4b:s5+s9], $0x40, s0, s9, $0xb8;
	[tilespmem:$0x12C00] =	vst v63  }
0x1f: {  	s29 =	sadd.s32 $0x80, s0  }
0x20: {  	[tilespmem:s18], [sflag:$0x2] =	stream.indirect.gather [hbm4b:s5+s11], $0x40, s29, s11, $0xb8;
	[tilespmem:$0x12C00] =	vst v63  }
0x21: {  	s29 =	sadd.s32 $0xC8, s0  }
0x22: {  	[tilespmem:s19], [sflag:$0x2] =	stream.indirect.gather [hbm4b:s5+s9], $0x40, s29, s9, $0xb8;
	[tilespmem:$0x12C00] =	vst v63  }
0x23: {  	s1 =	sadd.s32 $0x148, s0  }
0x24: {  	[tilespmem:s20], [sflag:$0x2] =	stream.indirect.gather [hbm4b:s5+s11], $0x40, s1, s11, $0xb8;
	[tilespmem:$0x12C00] =	vst v63  }
0x25: {  	_ =	swait.ge [sflag:s21], $0x2000  }
0x26: {  	[sflag:s21] =	ssyncset.done $0x0  }
0x27: {  	[sflag:s21] =	ssyncadd.s32 $0xFFFFE000  }
0x28: {  	_ =	swait.ge [sflag:s21], $0x1200  }
0x29: {  	[sflag:s21] =	ssyncset.done $0x0  }
0x2a: {  	[sflag:s21] =	ssyncadd.s32 $0xFFFFEE00  }
0x2b: {  	_ =	swait.ge [sflag:s21], $0x2000  }
0x2c: {  	[sflag:s21] =	ssyncset.done $0x0  }
0x2d: {  	[sflag:s21] =	ssyncadd.s32 $0xFFFFE000  }
0x2e: {  	_ =	swait.ge [sflag:s21], $0x1200  }
0x2f: {  	[sflag:s21] =	ssyncset.done $0x0  }
0x30: {  	s30 =	simm.s32 $0x6500;
	[sflag:s21] =	ssyncadd.s32 $0xFFFFEE00  }
0x31: {  	v0 =	vld [tilespmem:s30+$0xF0]  }
0x32: {  	v1 =	vld [tilespmem:s30+$0xFFFFFF10]  }
0x33: {  	v2 =	vld [tilespmem:s30+$0xFFFFFF20]  }
0x34: {  	v3 =	vld [tilespmem:s30+$0xFFFFFF30]  }
0x35: {  	v4 =	vld [tilespmem:s30+$0xFFFFFF40]  }
0x36: {  	v5 =	vld [tilespmem:s30+$0xFFFFFF50];
	v0 =	vmul.f32 $8.000000000e+00, v0  }
0x37: {  	v6 =	vld [tilespmem:s30+$0xFFFFFF60];
	v1 =	vmul.f32 $8.000000000e+00, v1  }
0x38: {  	v7 =	vld [tilespmem:s30+$0xFFFFFF70];
	v2 =	vmul.f32 $8.000000000e+00, v2;
	[tilespmem:s30+$0xF0] =	vst v0  }
0x39: {  	[tilespmem:s30+$0xFFFFFF10] =	vst v1;
	v0 =	vmul.f32 $8.000000000e+00, v3;
	v1 =	vld [tilespmem:s30+$0xFFFFFF80]  }
0x3a: {  	[tilespmem:s30+$0xFFFFFF20] =	vst v2;
	v2 =	vmul.f32 $8.000000000e+00, v4;
	v3 =	vld [tilespmem:s30+$0xFFFFFF90]  }
0x3b: {  	v4 =	vld [tilespmem:s30+$0xFFFFFFA0];
	[tilespmem:s30+$0xFFFFFF30] =	vst v0;
	v0 =	vmul.f32 $8.000000000e+00, v5  }
0x3c: {  	[tilespmem:s30+$0xFFFFFF40] =	vst v2;
	v2 =	vmul.f32 $8.000000000e+00, v6;
	v5 =	vld [tilespmem:s30+$0xFFFFFFB0]  }
0x3d: {  	v6 =	vld [tilespmem:s30+$0xFFFFFFC0];
	[tilespmem:s30+$0xFFFFFF50] =	vst v0;
	v0 =	vmul.f32 $8.000000000e+00, v7  }
0x3e: {  	[tilespmem:s30+$0xFFFFFF60] =	vst v2;
	v2 =	vld [tilespmem:s30+$0xFFFFFFD0];
	v1 =	vmul.f32 $8.000000000e+00, v1  }
0x3f: {  	[tilespmem:s30+$0xFFFFFF70] =	vst v0;
	v0 =	vmul.f32 $8.000000000e+00, v3;
	v3 =	vld [tilespmem:s30+$0xFFFFFFE0]  }
0x40: {  	[tilespmem:s30+$0xFFFFFF80] =	vst v1;
	v1 =	vmul.f32 $8.000000000e+00, v4;
	v4 =	vld [tilespmem:s30+$0xFFFFFFF0]  }
0x41: {  	[tilespmem:s30+$0xFFFFFF90] =	vst v0;
	v0 =	vmul.f32 $8.000000000e+00, v5;
	v5 =	vld [tilespmem:s30+$0x0]  }
0x42: {  	[tilespmem:s30+$0xFFFFFFA0] =	vst v1;
	v1 =	vmul.f32 $8.000000000e+00, v6;
	v6 =	vld [tilespmem:s30+$0x10]  }
0x43: {  	[tilespmem:s30+$0xFFFFFFB0] =	vst v0;
	v0 =	vmul.f32 $8.000000000e+00, v2;
	v2 =	vld [tilespmem:s30+$0x20]  }
0x44: {  	[tilespmem:s30+$0xFFFFFFC0] =	vst v1;
	v1 =	vmul.f32 $8.000000000e+00, v3;
	v3 =	vld [tilespmem:s30+$0x30]  }
0x45: {  	[tilespmem:s30+$0xFFFFFFD0] =	vst v0;
	v0 =	vmul.f32 $8.000000000e+00, v4;
	v4 =	vld [tilespmem:s30+$0x40]  }
0x46: {  	[tilespmem:s30+$0xFFFFFFE0] =	vst v1;
	v1 =	vmul.f32 $8.000000000e+00, v5;
	v5 =	vld [tilespmem:s30+$0x50]  }
0x47: {  	[tilespmem:s30+$0xFFFFFFF0] =	vst v0;
	v0 =	vmul.f32 $8.000000000e+00, v6;
	v6 =	vld [tilespmem:s30+$0x60]  }
0x48: {  	[tilespmem:s30+$0x0] =	vst v1;
	v1 =	vmul.f32 $8.000000000e+00, v2;
	v2 =	vld [tilespmem:s30+$0x70]  }
0x49: {  	[tilespmem:s30+$0x10] =	vst v0;
	v0 =	vmul.f32 $8.000000000e+00, v3;
	v3 =	vld [tilespmem:s30+$0x80]  }
0x4a: {  	[tilespmem:s30+$0x20] =	vst v1;
	v1 =	vmul.f32 $8.000000000e+00, v4;
	v4 =	vld [tilespmem:s30+$0x90]  }
0x4b: {  	v7 =	vld [tilespmem:s30+$0xA0];
	[tilespmem:s30+$0x30] =	vst v0;
	v5 =	vmul.f32 $8.000000000e+00, v5  }
0x4c: {  	v0 =	vld [tilespmem:s30+$0xB0];
	[tilespmem:s30+$0x40] =	vst v1;
	v6 =	vmul.f32 $8.000000000e+00, v6  }
0x4d: {  	v1 =	vld [tilespmem:s30+$0xC0];
	[tilespmem:s30+$0x50] =	vst v5;
	v5 =	vmul.f32 $8.000000000e+00, v2  }
0x4e: {  	v2 =	vld [tilespmem:s30+$0xD0];
	[tilespmem:s30+$0x60] =	vst v6;
	v6 =	vmul.f32 $8.000000000e+00, v3  }
0x4f: {  	v3 =	vld [tilespmem:s30+$0xE0];
	[tilespmem:s30+$0x70] =	vst v5;
	v5 =	vmul.f32 $8.000000000e+00, v4  }
0x50: {  	s31 =	simm.s32 $0x0;
	s29 =	simm.s32 $0x97F0;
	s1 =	simm.s32 $0x6700;
	v4 =	vld [tilespmem:s30+$0xFFFFFF00];
	[tilespmem:s30+$0x80] =	vst v6;
	v6 =	vmul.f32 $8.000000000e+00, v7  }
.LBB2_3:
0x51: {  	v7 =	vld [tilespmem:s1+$0xF0];
	s31 =	sadd.s32 $0x8, s31;
	[tilespmem:s30+$0x90] =	vst v5;
	v0 =	vmul.f32 $8.000000000e+00, v0  }
0x52: {  	v5 =	vld [tilespmem:s1+$0xFFFFFF10];
	p0 =	slt.u32 s31, $0xC0;
	[tilespmem:s30+$0xA0] =	vst v6;
	v1 =	vmul.f32 $8.000000000e+00, v1  }
0x53: {  	v6 =	vld [tilespmem:s1+$0xFFFFFF20];
	[tilespmem:s30+$0xB0] =	vst v0;
	v0 =	vmul.f32 $8.000000000e+00, v2  }
0x54: {  	v2 =	vld [tilespmem:s1+$0xFFFFFF30];
	[tilespmem:s30+$0xC0] =	vst v1;
	v1 =	vmul.f32 $8.000000000e+00, v3  }
0x55: {  	v3 =	vld [tilespmem:s1+$0xFFFFFF40];
	v4 =	vmul.f32 $8.000000000e+00, v4;
	[tilespmem:s30+$0xD0] =	vst v0  }
0x56: {  	v0 =	vld [tilespmem:s1+$0xFFFFFF50];
	v7 =	vmul.f32 $8.000000000e+00, v7;
	[tilespmem:s30+$0xE0] =	vst v1  }
0x57: {  	v1 =	vmul.f32 $8.000000000e+00, v5;
	v5 =	vld [tilespmem:s1+$0xFFFFFF60];
	[tilespmem:s30+$0xFFFFFF00] =	vst v4;
	s30 =	smov.u32 s1  }
0x58: {  	v4 =	vmul.f32 $8.000000000e+00, v6;
	v6 =	vld [tilespmem:s1+$0xFFFFFF70];
	[tilespmem:s1+$0xF0] =	vst v7  }
0x59: {  	[tilespmem:s1+$0xFFFFFF10] =	vst v1;
	v1 =	vmul.f32 $8.000000000e+00, v2;
	v2 =	vld [tilespmem:s1+$0xFFFFFF80]  }
0x5a: {  	[tilespmem:s1+$0xFFFFFF20] =	vst v4;
	v3 =	vmul.f32 $8.000000000e+00, v3;
	v4 =	vld [tilespmem:s1+$0xFFFFFF90]  }
0x5b: {  	[tilespmem:s1+$0xFFFFFF30] =	vst v1;
	v0 =	vmul.f32 $8.000000000e+00, v0;
	v1 =	vld [tilespmem:s1+$0xFFFFFFA0]  }
0x5c: {  	[tilespmem:s1+$0xFFFFFF40] =	vst v3;
	v3 =	vmul.f32 $8.000000000e+00, v5;
	v5 =	vld [tilespmem:s1+$0xFFFFFFB0]  }
0x5d: {  	[tilespmem:s1+$0xFFFFFF50] =	vst v0;
	v0 =	vmul.f32 $8.000000000e+00, v6;
	v6 =	vld [tilespmem:s1+$0xFFFFFFC0]  }
0x5e: {  	[tilespmem:s1+$0xFFFFFF60] =	vst v3;
	v2 =	vmul.f32 $8.000000000e+00, v2;
	v3 =	vld [tilespmem:s1+$0xFFFFFFD0]  }
0x5f: {  	[tilespmem:s1+$0xFFFFFF70] =	vst v0;
	v0 =	vmul.f32 $8.000000000e+00, v4;
	v4 =	vld [tilespmem:s1+$0xFFFFFFE0]  }
0x60: {  	[tilespmem:s1+$0xFFFFFF80] =	vst v2;
	v1 =	vmul.f32 $8.000000000e+00, v1;
	v2 =	vld [tilespmem:s1+$0xFFFFFFF0]  }
0x61: {  	[tilespmem:s1+$0xFFFFFF90] =	vst v0;
	v0 =	vmul.f32 $8.000000000e+00, v5;
	v5 =	vld [tilespmem:s1+$0x0]  }
0x62: {  	[tilespmem:s1+$0xFFFFFFA0] =	vst v1;
	v1 =	vmul.f32 $8.000000000e+00, v6;
	v6 =	vld [tilespmem:s1+$0x10]  }
0x63: {  	[tilespmem:s1+$0xFFFFFFB0] =	vst v0;
	v0 =	vmul.f32 $8.000000000e+00, v3;
	v3 =	vld [tilespmem:s1+$0x20]  }
0x64: {  	[tilespmem:s1+$0xFFFFFFC0] =	vst v1;
	v1 =	vmul.f32 $8.000000000e+00, v4;
	v4 =	vld [tilespmem:s1+$0x30]  }
0x65: {  	[tilespmem:s1+$0xFFFFFFD0] =	vst v0;
	v0 =	vmul.f32 $8.000000000e+00, v2;
	v2 =	vld [tilespmem:s1+$0x40]  }
0x66: {  	[tilespmem:s1+$0xFFFFFFE0] =	vst v1;
	v1 =	vmul.f32 $8.000000000e+00, v5;
	v5 =	vld [tilespmem:s1+$0x50]  }
0x67: {  	[tilespmem:s1+$0xFFFFFFF0] =	vst v0;
	v0 =	vmul.f32 $8.000000000e+00, v6;
	v6 =	vld [tilespmem:s1+$0x60]  }
0x68: {  	[tilespmem:s1+$0x0] =	vst v1;
	v1 =	vmul.f32 $8.000000000e+00, v3;
	v3 =	vld [tilespmem:s1+$0x70]  }
0x69: {  	[tilespmem:s1+$0x10] =	vst v0;
	v0 =	vmul.f32 $8.000000000e+00, v4;
	v4 =	vld [tilespmem:s1+$0x80]  }
0x6a: {  	[tilespmem:s1+$0x20] =	vst v1;
	v1 =	vmul.f32 $8.000000000e+00, v2;
	v7 =	vld [tilespmem:s1+$0x90]  }
0x6b: {  	[tilespmem:s1+$0x30] =	vst v0;
	v2 =	vmul.f32 $8.000000000e+00, v5;
	v8 =	vld [tilespmem:s1+$0xA0]  }
.Ltmp0:
0x6c: {  	[tilespmem:s1+$0x40] =	vst v1;
	v5 =	vmul.f32 $8.000000000e+00, v6;
	v0 =	vld [tilespmem:s1+$0xB0];
	(pc) =	sbr.rel @p0 .LBB2_3-.Ltmp0, $4  }
0x6d: {  	[tilespmem:s1+$0x50] =	vst v2;
	v3 =	vmul.f32 $8.000000000e+00, v3;
	v1 =	vld [tilespmem:s1+$0xC0]  }
0x6e: {  	[tilespmem:s1+$0x60] =	vst v5;
	v6 =	vmul.f32 $8.000000000e+00, v4;
	v2 =	vld [tilespmem:s1+$0xD0]  }
0x6f: {  	[tilespmem:s1+$0x70] =	vst v3;
	v5 =	vmul.f32 $8.000000000e+00, v7;
	v3 =	vld [tilespmem:s1+$0xE0]  }
0x70: {  	s1 =	sadd.s32 $0x200, s1;
	v4 =	vld [tilespmem:s30+$0xFFFFFF00];
	[tilespmem:s30+$0x80] =	vst v6;
	v6 =	vmul.f32 $8.000000000e+00, v8  }
0x71: {  	[tilespmem:s30+$0x90] =	vst v5;
	v0 =	vmul.f32 $8.000000000e+00, v0  }
0x72: {  	[tilespmem:s30+$0xA0] =	vst v6;
	v1 =	vmul.f32 $8.000000000e+00, v1  }
0x73: {  	[tilespmem:s30+$0xB0] =	vst v0;
	v0 =	vmul.f32 $8.000000000e+00, v2  }
0x74: {  	[tilespmem:s30+$0xC0] =	vst v1;
	v1 =	vmul.f32 $8.000000000e+00, v3  }
0x75: {  	v2 =	vmul.f32 $8.000000000e+00, v4;
	[tilespmem:s30+$0xD0] =	vst v0  }
0x76: {  	[tilespmem:s30+$0xE0] =	vst v1  }
0x77: {  	[tilespmem:s30+$0xFFFFFF00] =	vst v2  }
0x78: {  	v0 =	vld [tilespmem:s29+$0x0]  }
0x79: {  	v1 =	vld [tilespmem:s29+$0xFFFFFE20]  }
0x7a: {  	v2 =	vld [tilespmem:s29+$0xFFFFFE30]  }
0x7b: {  	v3 =	vld [tilespmem:s29+$0xFFFFFE40]  }
0x7c: {  	v4 =	vld [tilespmem:s29+$0xFFFFFE50]  }
0x7d: {  	v5 =	vld [tilespmem:s29+$0xFFFFFE60];
	v0 =	vmul.f32 $8.000000000e+00, v0  }
0x7e: {  	v6 =	vld [tilespmem:s29+$0xFFFFFE70];
	v1 =	vmul.f32 $8.000000000e+00, v1  }
0x7f: {  	v7 =	vld [tilespmem:s29+$0xFFFFFE80];
	v2 =	vmul.f32 $8.000000000e+00, v2;
	[tilespmem:s29+$0x0] =	vst v0  }
0x80: {  	[tilespmem:s29+$0xFFFFFE20] =	vst v1;
	v0 =	vmul.f32 $8.000000000e+00, v3;
	v1 =	vld [tilespmem:s29+$0xFFFFFE90]  }
0x81: {  	[tilespmem:s29+$0xFFFFFE30] =	vst v2;
	v2 =	vmul.f32 $8.000000000e+00, v4;
	v3 =	vld [tilespmem:s29+$0xFFFFFEA0]  }
0x82: {  	v4 =	vld [tilespmem:s29+$0xFFFFFEB0];
	[tilespmem:s29+$0xFFFFFE40] =	vst v0;
	v0 =	vmul.f32 $8.000000000e+00, v5  }
0x83: {  	[tilespmem:s29+$0xFFFFFE50] =	vst v2;
	v2 =	vmul.f32 $8.000000000e+00, v6;
	v5 =	vld [tilespmem:s29+$0xFFFFFEC0]  }
0x84: {  	v6 =	vld [tilespmem:s29+$0xFFFFFED0];
	[tilespmem:s29+$0xFFFFFE60] =	vst v0;
	v0 =	vmul.f32 $8.000000000e+00, v7  }
0x85: {  	[tilespmem:s29+$0xFFFFFE70] =	vst v2;
	v2 =	vld [tilespmem:s29+$0xFFFFFEE0];
	v1 =	vmul.f32 $8.000000000e+00, v1  }
0x86: {  	[tilespmem:s29+$0xFFFFFE80] =	vst v0;
	v0 =	vmul.f32 $8.000000000e+00, v3;
	v3 =	vld [tilespmem:s29+$0xFFFFFEF0]  }
0x87: {  	[tilespmem:s29+$0xFFFFFE90] =	vst v1;
	v1 =	vmul.f32 $8.000000000e+00, v4;
	v4 =	vld [tilespmem:s29+$0xFFFFFF00]  }
0x88: {  	[tilespmem:s29+$0xFFFFFEA0] =	vst v0;
	v0 =	vmul.f32 $8.000000000e+00, v5;
	v5 =	vld [tilespmem:s29+$0xFFFFFF10]  }
0x89: {  	[tilespmem:s29+$0xFFFFFEB0] =	vst v1;
	v1 =	vmul.f32 $8.000000000e+00, v6;
	v6 =	vld [tilespmem:s29+$0xFFFFFF20]  }
0x8a: {  	[tilespmem:s29+$0xFFFFFEC0] =	vst v0;
	v0 =	vmul.f32 $8.000000000e+00, v2;
	v2 =	vld [tilespmem:s29+$0xFFFFFF30]  }
0x8b: {  	[tilespmem:s29+$0xFFFFFED0] =	vst v1;
	v1 =	vmul.f32 $8.000000000e+00, v3;
	v3 =	vld [tilespmem:s29+$0xFFFFFF40]  }
0x8c: {  	[tilespmem:s29+$0xFFFFFEE0] =	vst v0;
	v0 =	vmul.f32 $8.000000000e+00, v4;
	v4 =	vld [tilespmem:s29+$0xFFFFFF50]  }
0x8d: {  	[tilespmem:s29+$0xFFFFFEF0] =	vst v1;
	v1 =	vmul.f32 $8.000000000e+00, v5;
	v5 =	vld [tilespmem:s29+$0xFFFFFF60]  }
0x8e: {  	[tilespmem:s29+$0xFFFFFF00] =	vst v0;
	v0 =	vmul.f32 $8.000000000e+00, v6;
	v6 =	vld [tilespmem:s29+$0xFFFFFF70]  }
0x8f: {  	[tilespmem:s29+$0xFFFFFF10] =	vst v1;
	v1 =	vmul.f32 $8.000000000e+00, v2;
	v2 =	vld [tilespmem:s29+$0xFFFFFF80]  }
0x90: {  	[tilespmem:s29+$0xFFFFFF20] =	vst v0;
	v0 =	vmul.f32 $8.000000000e+00, v3;
	v3 =	vld [tilespmem:s29+$0xFFFFFF90]  }
0x91: {  	v7 =	vld [tilespmem:s29+$0xFFFFFFA0];
	[tilespmem:s29+$0xFFFFFF30] =	vst v1;
	v1 =	vmul.f32 $8.000000000e+00, v4  }
0x92: {  	v8 =	vld [tilespmem:s29+$0xFFFFFFB0];
	[tilespmem:s29+$0xFFFFFF40] =	vst v0;
	v4 =	vmul.f32 $8.000000000e+00, v5  }
0x93: {  	v0 =	vld [tilespmem:s29+$0xFFFFFFC0];
	[tilespmem:s29+$0xFFFFFF50] =	vst v1;
	v5 =	vmul.f32 $8.000000000e+00, v6  }
0x94: {  	v1 =	vld [tilespmem:s29+$0xFFFFFFD0];
	[tilespmem:s29+$0xFFFFFF60] =	vst v4;
	v2 =	vmul.f32 $8.000000000e+00, v2  }
0x95: {  	v4 =	vld [tilespmem:s29+$0xFFFFFFE0];
	[tilespmem:s29+$0xFFFFFF70] =	vst v5;
	v6 =	vmul.f32 $8.000000000e+00, v3  }
0x96: {  	v5 =	vmul.f32 $8.000000000e+00, v7;
	[tilespmem:s29+$0xFFFFFF80] =	vst v2;
	v2 =	vld [tilespmem:s29+$0xFFFFFFF0]  }
0x97: {  	s1 =	simm.s32 $0x99F0;
	s30 =	simm.s32 $0x0;
	v3 =	vld [tilespmem:s29+$0xFFFFFE10];
	[tilespmem:s29+$0xFFFFFF90] =	vst v6;
	v6 =	vmul.f32 $8.000000000e+00, v8  }
.LBB2_5:
0x98: {  	v7 =	vld [tilespmem:s1+$0x0];
	s30 =	sadd.s32 $0x8, s30;
	[tilespmem:s29+$0xFFFFFFA0] =	vst v5;
	v0 =	vmul.f32 $8.000000000e+00, v0  }
0x99: {  	v5 =	vld [tilespmem:s1+$0xFFFFFE20];
	p0 =	slt.u32 s30, $0xC0;
	[tilespmem:s29+$0xFFFFFFB0] =	vst v6;
	v1 =	vmul.f32 $8.000000000e+00, v1  }
0x9a: {  	v6 =	vld [tilespmem:s1+$0xFFFFFE30];
	[tilespmem:s29+$0xFFFFFFC0] =	vst v0;
	v0 =	vmul.f32 $8.000000000e+00, v4  }
0x9b: {  	v4 =	vld [tilespmem:s1+$0xFFFFFE40];
	[tilespmem:s29+$0xFFFFFFD0] =	vst v1;
	v1 =	vmul.f32 $8.000000000e+00, v2  }
0x9c: {  	v2 =	vld [tilespmem:s1+$0xFFFFFE50];
	v3 =	vmul.f32 $8.000000000e+00, v3;
	[tilespmem:s29+$0xFFFFFFE0] =	vst v0  }
0x9d: {  	v0 =	vld [tilespmem:s1+$0xFFFFFE60];
	v7 =	vmul.f32 $8.000000000e+00, v7;
	[tilespmem:s29+$0xFFFFFFF0] =	vst v1  }
0x9e: {  	v1 =	vmul.f32 $8.000000000e+00, v5;
	v5 =	vld [tilespmem:s1+$0xFFFFFE70];
	[tilespmem:s29+$0xFFFFFE10] =	vst v3;
	s29 =	smov.u32 s1  }
0x9f: {  	v3 =	vmul.f32 $8.000000000e+00, v6;
	v6 =	vld [tilespmem:s1+$0xFFFFFE80];
	[tilespmem:s1+$0x0] =	vst v7  }
0xa0: {  	[tilespmem:s1+$0xFFFFFE20] =	vst v1;
	v1 =	vmul.f32 $8.000000000e+00, v4;
	v4 =	vld [tilespmem:s1+$0xFFFFFE90]  }
0xa1: {  	[tilespmem:s1+$0xFFFFFE30] =	vst v3;
	v2 =	vmul.f32 $8.000000000e+00, v2;
	v3 =	vld [tilespmem:s1+$0xFFFFFEA0]  }
0xa2: {  	[tilespmem:s1+$0xFFFFFE40] =	vst v1;
	v0 =	vmul.f32 $8.000000000e+00, v0;
	v1 =	vld [tilespmem:s1+$0xFFFFFEB0]  }
0xa3: {  	[tilespmem:s1+$0xFFFFFE50] =	vst v2;
	v2 =	vmul.f32 $8.000000000e+00, v5;
	v5 =	vld [tilespmem:s1+$0xFFFFFEC0]  }
0xa4: {  	[tilespmem:s1+$0xFFFFFE60] =	vst v0;
	v0 =	vmul.f32 $8.000000000e+00, v6;
	v6 =	vld [tilespmem:s1+$0xFFFFFED0]  }
0xa5: {  	[tilespmem:s1+$0xFFFFFE70] =	vst v2;
	v2 =	vmul.f32 $8.000000000e+00, v4;
	v4 =	vld [tilespmem:s1+$0xFFFFFEE0]  }
0xa6: {  	[tilespmem:s1+$0xFFFFFE80] =	vst v0;
	v0 =	vmul.f32 $8.000000000e+00, v3;
	v3 =	vld [tilespmem:s1+$0xFFFFFEF0]  }
0xa7: {  	[tilespmem:s1+$0xFFFFFE90] =	vst v2;
	v1 =	vmul.f32 $8.000000000e+00, v1;
	v2 =	vld [tilespmem:s1+$0xFFFFFF00]  }
0xa8: {  	[tilespmem:s1+$0xFFFFFEA0] =	vst v0;
	v0 =	vmul.f32 $8.000000000e+00, v5;
	v5 =	vld [tilespmem:s1+$0xFFFFFF10]  }
0xa9: {  	[tilespmem:s1+$0xFFFFFEB0] =	vst v1;
	v1 =	vmul.f32 $8.000000000e+00, v6;
	v6 =	vld [tilespmem:s1+$0xFFFFFF20]  }
0xaa: {  	[tilespmem:s1+$0xFFFFFEC0] =	vst v0;
	v0 =	vmul.f32 $8.000000000e+00, v4;
	v4 =	vld [tilespmem:s1+$0xFFFFFF30]  }
0xab: {  	[tilespmem:s1+$0xFFFFFED0] =	vst v1;
	v1 =	vmul.f32 $8.000000000e+00, v3;
	v3 =	vld [tilespmem:s1+$0xFFFFFF40]  }
0xac: {  	[tilespmem:s1+$0xFFFFFEE0] =	vst v0;
	v0 =	vmul.f32 $8.000000000e+00, v2;
	v2 =	vld [tilespmem:s1+$0xFFFFFF50]  }
0xad: {  	[tilespmem:s1+$0xFFFFFEF0] =	vst v1;
	v1 =	vmul.f32 $8.000000000e+00, v5;
	v5 =	vld [tilespmem:s1+$0xFFFFFF60]  }
0xae: {  	[tilespmem:s1+$0xFFFFFF00] =	vst v0;
	v0 =	vmul.f32 $8.000000000e+00, v6;
	v6 =	vld [tilespmem:s1+$0xFFFFFF70]  }
0xaf: {  	[tilespmem:s1+$0xFFFFFF10] =	vst v1;
	v1 =	vmul.f32 $8.000000000e+00, v4;
	v4 =	vld [tilespmem:s1+$0xFFFFFF80]  }
0xb0: {  	[tilespmem:s1+$0xFFFFFF20] =	vst v0;
	v0 =	vmul.f32 $8.000000000e+00, v3;
	v3 =	vld [tilespmem:s1+$0xFFFFFF90]  }
0xb1: {  	[tilespmem:s1+$0xFFFFFF30] =	vst v1;
	v1 =	vmul.f32 $8.000000000e+00, v2;
	v2 =	vld [tilespmem:s1+$0xFFFFFFA0]  }
0xb2: {  	[tilespmem:s1+$0xFFFFFF40] =	vst v0;
	v5 =	vmul.f32 $8.000000000e+00, v5;
	v7 =	vld [tilespmem:s1+$0xFFFFFFB0]  }
.Ltmp1:
0xb3: {  	[tilespmem:s1+$0xFFFFFF50] =	vst v1;
	v6 =	vmul.f32 $8.000000000e+00, v6;
	v0 =	vld [tilespmem:s1+$0xFFFFFFC0];
	(pc) =	sbr.rel @p0 .LBB2_5-.Ltmp1, $4  }
0xb4: {  	[tilespmem:s1+$0xFFFFFF60] =	vst v5;
	v5 =	vmul.f32 $8.000000000e+00, v4;
	v1 =	vld [tilespmem:s1+$0xFFFFFFD0]  }
0xb5: {  	[tilespmem:s1+$0xFFFFFF70] =	vst v6;
	v6 =	vmul.f32 $8.000000000e+00, v3;
	v4 =	vld [tilespmem:s1+$0xFFFFFFE0]  }
0xb6: {  	[tilespmem:s1+$0xFFFFFF80] =	vst v5;
	v5 =	vmul.f32 $8.000000000e+00, v2;
	v2 =	vld [tilespmem:s1+$0xFFFFFFF0]  }
0xb7: {  	s1 =	sadd.s32 $0x200, s1;
	v3 =	vld [tilespmem:s29+$0xFFFFFE10];
	[tilespmem:s29+$0xFFFFFF90] =	vst v6;
	v6 =	vmul.f32 $8.000000000e+00, v7  }
0xb8: {  	[tilespmem:s29+$0xFFFFFFA0] =	vst v5;
	v0 =	vmul.f32 $8.000000000e+00, v0  }
0xb9: {  	[tilespmem:s29+$0xFFFFFFB0] =	vst v6;
	v1 =	vmul.f32 $8.000000000e+00, v1  }
0xba: {  	s1 =	sshll.u32 s26, $0x2;
	[tilespmem:s29+$0xFFFFFFC0] =	vst v0;
	v0 =	vmul.f32 $8.000000000e+00, v4  }
0xbb: {  	s1 =	sadd.s32 s3, s1;
	[tilespmem:s29+$0xFFFFFFD0] =	vst v1;
	v1 =	vmul.f32 $8.000000000e+00, v2  }
0xbc: {  	s1 =	smul.u32 $0x640, s1;
	v2 =	vmul.f32 $8.000000000e+00, v3;
	[tilespmem:s29+$0xFFFFFFE0] =	vst v0  }
0xbd: {  	[tilespmem:s29+$0xFFFFFFF0] =	vst v1  }
0xbe: {  	p0 =	seq.s32 s26, $0x1F;
	s1 =	sadd.s32 s2, s1;
	[tilespmem:s29+$0xFFFFFE10] =	vst v2  }
0xbf: {  	[hbm4b:s1+s4] =	stream.linear.scatter [tilespmem:s10], [sflag:$0x3], $0x6400, $0x38;
	[tilespmem:$0x12C00] =	vst v63  }
0xc0: {  	s1 =	simm.s32 @!p0 $0x3  }
0xc1: {  	s29 =	smul.u32 @!p0 $0xC80, s26;
	_ =	swait.ge @!p0 [sflag:s1], $0x6400  }
0xc2: {  	[sflag:s1] =	ssyncset.done @!p0 $0x0  }
0xc3: {  	[sflag:s1] =	ssyncadd.s32 @!p0 $0xFFFF9C00;
	s1 =	sshra.s32 @!p0 s29, $0x2  }
0xc4: {  	s30 =	simm.s32 @!p0 $0x80;
	s31 =	simm.s32 @!p0 $0x6400;
	s29 =	sadd.s32 @!p0 $0x320, s1  }
0xc5: {  	[tilespmem:s31], [sflag:$0x1] =	stream.indirect.gather @!p0 [hbm4b:s5+s30], $0x40, s29, s30, $0xb8;
	[tilespmem:$0x12C00] =	vst v63  }
0xc6: {  	s0 =	simm.s32 @!p0 $0x8400;
	s29 =	sadd.s32 @!p0 $0x3A0, s1;
	s31 =	simm.s32 @!p0 $0x48  }
0xc7: {  	[tilespmem:s0], [sflag:$0x1] =	stream.indirect.gather @!p0 [hbm4b:s5+s31], $0x40, s29, s31, $0xb8;
	[tilespmem:$0x12C00] =	vst v63  }
0xc8: {  	s0 =	sadd.s32 @!p0 $0x3E8, s1;
	s29 =	simm.s32 @!p0 $0x9600  }
0xc9: {  	[tilespmem:s29], [sflag:$0x1] =	stream.indirect.gather @!p0 [hbm4b:s5+s30], $0x40, s0, s30, $0xb8;
	[tilespmem:$0x12C00] =	vst v63  }
0xca: {  	s0 =	sadd.s32 @!p0 $0x468, s1;
	s1 =	simm.s32 @!p0 $0xB600  }
0xcb: {  	[tilespmem:s1], [sflag:$0x1] =	stream.indirect.gather @!p0 [hbm4b:s5+s31], $0x40, s0, s31, $0xb8;
	[tilespmem:$0x12C00] =	vst v63  }
0xcc: {  	_ =	swait.ge [sflag:s22], $0x2000  }
0xcd: {  	[sflag:s22] =	ssyncset.done $0x0  }
0xce: {  	[sflag:s22] =	ssyncadd.s32 $0xFFFFE000  }
0xcf: {  	_ =	swait.ge [sflag:s22], $0x1200  }
0xd0: {  	[sflag:s22] =	ssyncset.done $0x0  }
0xd1: {  	[sflag:s22] =	ssyncadd.s32 $0xFFFFEE00  }
0xd2: {  	_ =	swait.ge [sflag:s22], $0x2000  }
0xd3: {  	[sflag:s22] =	ssyncset.done $0x0  }
0xd4: {  	[sflag:s22] =	ssyncadd.s32 $0xFFFFE000  }
0xd5: {  	_ =	swait.ge [sflag:s22], $0x1200  }
0xd6: {  	[sflag:s22] =	ssyncset.done $0x0  }
0xd7: {  	s30 =	simm.s32 $0xC800;
	[sflag:s22] =	ssyncadd.s32 $0xFFFFEE00  }
0xd8: {  	v0 =	vld [tilespmem:s30+$0x1F0]  }
0xd9: {  	v1 =	vld [tilespmem:s30+$0x10]  }
0xda: {  	v2 =	vld [tilespmem:s30+$0x20]  }
0xdb: {  	v3 =	vld [tilespmem:s30+$0x30]  }
0xdc: {  	v4 =	vld [tilespmem:s30+$0x40]  }
0xdd: {  	v5 =	vld [tilespmem:s30+$0x50];
	v0 =	vmul.f32 $8.000000000e+00, v0  }
0xde: {  	v6 =	vld [tilespmem:s30+$0x60];
	v1 =	vmul.f32 $8.000000000e+00, v1  }
0xdf: {  	v7 =	vld [tilespmem:s30+$0x70];
	v2 =	vmul.f32 $8.000000000e+00, v2;
	[tilespmem:s30+$0x1F0] =	vst v0  }
0xe0: {  	[tilespmem:s30+$0x10] =	vst v1;
	v0 =	vmul.f32 $8.000000000e+00, v3;
	v1 =	vld [tilespmem:s30+$0x80]  }
0xe1: {  	[tilespmem:s30+$0x20] =	vst v2;
	v2 =	vmul.f32 $8.000000000e+00, v4;
	v3 =	vld [tilespmem:s30+$0x90]  }
0xe2: {  	v4 =	vld [tilespmem:s30+$0xA0];
	[tilespmem:s30+$0x30] =	vst v0;
	v0 =	vmul.f32 $8.000000000e+00, v5  }
0xe3: {  	[tilespmem:s30+$0x40] =	vst v2;
	v2 =	vmul.f32 $8.000000000e+00, v6;
	v5 =	vld [tilespmem:s30+$0xB0]  }
0xe4: {  	v6 =	vld [tilespmem:s30+$0xC0];
	[tilespmem:s30+$0x50] =	vst v0;
	v0 =	vmul.f32 $8.000000000e+00, v7  }
0xe5: {  	[tilespmem:s30+$0x60] =	vst v2;
	v2 =	vld [tilespmem:s30+$0xD0];
	v1 =	vmul.f32 $8.000000000e+00, v1  }
0xe6: {  	[tilespmem:s30+$0x70] =	vst v0;
	v0 =	vmul.f32 $8.000000000e+00, v3;
	v3 =	vld [tilespmem:s30+$0xE0]  }
0xe7: {  	[tilespmem:s30+$0x80] =	vst v1;
	v1 =	vmul.f32 $8.000000000e+00, v4;
	v4 =	vld [tilespmem:s30+$0xF0]  }
0xe8: {  	[tilespmem:s30+$0x90] =	vst v0;
	v0 =	vmul.f32 $8.000000000e+00, v5;
	v5 =	vld [tilespmem:s30+$0x100]  }
0xe9: {  	[tilespmem:s30+$0xA0] =	vst v1;
	v1 =	vmul.f32 $8.000000000e+00, v6;
	v6 =	vld [tilespmem:s30+$0x110]  }
0xea: {  	[tilespmem:s30+$0xB0] =	vst v0;
	v0 =	vmul.f32 $8.000000000e+00, v2;
	v2 =	vld [tilespmem:s30+$0x120]  }
0xeb: {  	[tilespmem:s30+$0xC0] =	vst v1;
	v1 =	vmul.f32 $8.000000000e+00, v3;
	v3 =	vld [tilespmem:s30+$0x130]  }
0xec: {  	[tilespmem:s30+$0xD0] =	vst v0;
	v0 =	vmul.f32 $8.000000000e+00, v4;
	v4 =	vld [tilespmem:s30+$0x140]  }
0xed: {  	[tilespmem:s30+$0xE0] =	vst v1;
	v1 =	vmul.f32 $8.000000000e+00, v5;
	v5 =	vld [tilespmem:s30+$0x150]  }
0xee: {  	[tilespmem:s30+$0xF0] =	vst v0;
	v0 =	vmul.f32 $8.000000000e+00, v6;
	v6 =	vld [tilespmem:s30+$0x160]  }
0xef: {  	[tilespmem:s30+$0x100] =	vst v1;
	v1 =	vmul.f32 $8.000000000e+00, v2;
	v2 =	vld [tilespmem:s30+$0x170]  }
0xf0: {  	[tilespmem:s30+$0x110] =	vst v0;
	v0 =	vmul.f32 $8.000000000e+00, v3;
	v3 =	vld [tilespmem:s30+$0x180]  }
0xf1: {  	[tilespmem:s30+$0x120] =	vst v1;
	v1 =	vmul.f32 $8.000000000e+00, v4;
	v4 =	vld [tilespmem:s30+$0x190]  }
0xf2: {  	v7 =	vld [tilespmem:s30+$0x1A0];
	[tilespmem:s30+$0x130] =	vst v0;
	v5 =	vmul.f32 $8.000000000e+00, v5  }
0xf3: {  	v0 =	vld [tilespmem:s30+$0x1B0];
	[tilespmem:s30+$0x140] =	vst v1;
	v6 =	vmul.f32 $8.000000000e+00, v6  }
0xf4: {  	v1 =	vld [tilespmem:s30+$0x1C0];
	[tilespmem:s30+$0x150] =	vst v5;
	v5 =	vmul.f32 $8.000000000e+00, v2  }
0xf5: {  	v2 =	vld [tilespmem:s30+$0x1D0];
	[tilespmem:s30+$0x160] =	vst v6;
	v6 =	vmul.f32 $8.000000000e+00, v3  }
0xf6: {  	v3 =	vld [tilespmem:s30+$0x1E0];
	[tilespmem:s30+$0x170] =	vst v5;
	v5 =	vmul.f32 $8.000000000e+00, v4  }
0xf7: {  	s31 =	simm.s32 $0x0;
	s1 =	simm.s32 $0xCA00;
	v4 =	vld [tilespmem:s30+$0x0];
	[tilespmem:s30+$0x180] =	vst v6;
	v6 =	vmul.f32 $8.000000000e+00, v7  }
.LBB2_7:
0xf8: {  	v7 =	vld [tilespmem:s1+$0x1F0];
	s31 =	sadd.s32 $0x8, s31;
	[tilespmem:s30+$0x190] =	vst v5;
	v0 =	vmul.f32 $8.000000000e+00, v0  }
0xf9: {  	v5 =	vld [tilespmem:s1+$0x10];
	p0 =	slt.u32 s31, $0xC0;
	[tilespmem:s30+$0x1A0] =	vst v6;
	v1 =	vmul.f32 $8.000000000e+00, v1  }
0xfa: {  	v6 =	vld [tilespmem:s1+$0x20];
	[tilespmem:s30+$0x1B0] =	vst v0;
	v0 =	vmul.f32 $8.000000000e+00, v2  }
0xfb: {  	v2 =	vld [tilespmem:s1+$0x30];
	[tilespmem:s30+$0x1C0] =	vst v1;
	v1 =	vmul.f32 $8.000000000e+00, v3  }
0xfc: {  	v3 =	vld [tilespmem:s1+$0x40];
	v4 =	vmul.f32 $8.000000000e+00, v4;
	[tilespmem:s30+$0x1D0] =	vst v0  }
0xfd: {  	v0 =	vld [tilespmem:s1+$0x50];
	v7 =	vmul.f32 $8.000000000e+00, v7;
	[tilespmem:s30+$0x1E0] =	vst v1  }
0xfe: {  	v1 =	vmul.f32 $8.000000000e+00, v5;
	v5 =	vld [tilespmem:s1+$0x60];
	[tilespmem:s30+$0x0] =	vst v4;
	s30 =	smov.u32 s1  }
0xff: {  	s29 =	simm.s32 $0xFA00;
	v4 =	vmul.f32 $8.000000000e+00, v6;
	v6 =	vld [tilespmem:s1+$0x70];
	[tilespmem:s1+$0x1F0] =	vst v7  }
0x100: {  	[tilespmem:s1+$0x10] =	vst v1;
	v1 =	vmul.f32 $8.000000000e+00, v2;
	v2 =	vld [tilespmem:s1+$0x80]  }
0x101: {  	[tilespmem:s1+$0x20] =	vst v4;
	v3 =	vmul.f32 $8.000000000e+00, v3;
	v4 =	vld [tilespmem:s1+$0x90]  }
0x102: {  	[tilespmem:s1+$0x30] =	vst v1;
	v0 =	vmul.f32 $8.000000000e+00, v0;
	v1 =	vld [tilespmem:s1+$0xA0]  }
0x103: {  	[tilespmem:s1+$0x40] =	vst v3;
	v3 =	vmul.f32 $8.000000000e+00, v5;
	v5 =	vld [tilespmem:s1+$0xB0]  }
0x104: {  	[tilespmem:s1+$0x50] =	vst v0;
	v0 =	vmul.f32 $8.000000000e+00, v6;
	v6 =	vld [tilespmem:s1+$0xC0]  }
0x105: {  	[tilespmem:s1+$0x60] =	vst v3;
	v2 =	vmul.f32 $8.000000000e+00, v2;
	v3 =	vld [tilespmem:s1+$0xD0]  }
0x106: {  	[tilespmem:s1+$0x70] =	vst v0;
	v0 =	vmul.f32 $8.000000000e+00, v4;
	v4 =	vld [tilespmem:s1+$0xE0]  }
0x107: {  	[tilespmem:s1+$0x80] =	vst v2;
	v1 =	vmul.f32 $8.000000000e+00, v1;
	v2 =	vld [tilespmem:s1+$0xF0]  }
0x108: {  	[tilespmem:s1+$0x90] =	vst v0;
	v0 =	vmul.f32 $8.000000000e+00, v5;
	v5 =	vld [tilespmem:s1+$0x100]  }
0x109: {  	[tilespmem:s1+$0xA0] =	vst v1;
	v1 =	vmul.f32 $8.000000000e+00, v6;
	v6 =	vld [tilespmem:s1+$0x110]  }
0x10a: {  	[tilespmem:s1+$0xB0] =	vst v0;
	v0 =	vmul.f32 $8.000000000e+00, v3;
	v3 =	vld [tilespmem:s1+$0x120]  }
0x10b: {  	[tilespmem:s1+$0xC0] =	vst v1;
	v1 =	vmul.f32 $8.000000000e+00, v4;
	v4 =	vld [tilespmem:s1+$0x130]  }
0x10c: {  	[tilespmem:s1+$0xD0] =	vst v0;
	v0 =	vmul.f32 $8.000000000e+00, v2;
	v2 =	vld [tilespmem:s1+$0x140]  }
0x10d: {  	[tilespmem:s1+$0xE0] =	vst v1;
	v1 =	vmul.f32 $8.000000000e+00, v5;
	v5 =	vld [tilespmem:s1+$0x150]  }
0x10e: {  	[tilespmem:s1+$0xF0] =	vst v0;
	v0 =	vmul.f32 $8.000000000e+00, v6;
	v6 =	vld [tilespmem:s1+$0x160]  }
0x10f: {  	[tilespmem:s1+$0x100] =	vst v1;
	v1 =	vmul.f32 $8.000000000e+00, v3;
	v3 =	vld [tilespmem:s1+$0x170]  }
0x110: {  	[tilespmem:s1+$0x110] =	vst v0;
	v0 =	vmul.f32 $8.000000000e+00, v4;
	v4 =	vld [tilespmem:s1+$0x180]  }
0x111: {  	[tilespmem:s1+$0x120] =	vst v1;
	v1 =	vmul.f32 $8.000000000e+00, v2;
	v7 =	vld [tilespmem:s1+$0x190]  }
0x112: {  	[tilespmem:s1+$0x130] =	vst v0;
	v2 =	vmul.f32 $8.000000000e+00, v5;
	v8 =	vld [tilespmem:s1+$0x1A0]  }
.Ltmp2:
0x113: {  	[tilespmem:s1+$0x140] =	vst v1;
	v5 =	vmul.f32 $8.000000000e+00, v6;
	v0 =	vld [tilespmem:s1+$0x1B0];
	(pc) =	sbr.rel @p0 .LBB2_7-.Ltmp2, $4  }
0x114: {  	[tilespmem:s1+$0x150] =	vst v2;
	v3 =	vmul.f32 $8.000000000e+00, v3;
	v1 =	vld [tilespmem:s1+$0x1C0]  }
0x115: {  	[tilespmem:s1+$0x160] =	vst v5;
	v6 =	vmul.f32 $8.000000000e+00, v4;
	v2 =	vld [tilespmem:s1+$0x1D0]  }
0x116: {  	[tilespmem:s1+$0x170] =	vst v3;
	v5 =	vmul.f32 $8.000000000e+00, v7;
	v3 =	vld [tilespmem:s1+$0x1E0]  }
0x117: {  	s1 =	sadd.s32 $0x200, s1;
	v4 =	vld [tilespmem:s30+$0x0];
	[tilespmem:s30+$0x180] =	vst v6;
	v6 =	vmul.f32 $8.000000000e+00, v8  }
0x118: {  	[tilespmem:s30+$0x190] =	vst v5;
	v0 =	vmul.f32 $8.000000000e+00, v0  }
0x119: {  	[tilespmem:s30+$0x1A0] =	vst v6;
	v1 =	vmul.f32 $8.000000000e+00, v1  }
0x11a: {  	[tilespmem:s30+$0x1B0] =	vst v0;
	v0 =	vmul.f32 $8.000000000e+00, v2  }
0x11b: {  	[tilespmem:s30+$0x1C0] =	vst v1;
	v1 =	vmul.f32 $8.000000000e+00, v3  }
0x11c: {  	v2 =	vmul.f32 $8.000000000e+00, v4;
	[tilespmem:s30+$0x1D0] =	vst v0  }
0x11d: {  	[tilespmem:s30+$0x1E0] =	vst v1  }
0x11e: {  	[tilespmem:s30+$0x0] =	vst v2  }
0x11f: {  	v0 =	vld [tilespmem:s29+$0x1F0]  }
0x120: {  	v1 =	vld [tilespmem:s29+$0x10]  }
0x121: {  	v2 =	vld [tilespmem:s29+$0x20]  }
0x122: {  	v3 =	vld [tilespmem:s29+$0x30]  }
0x123: {  	v4 =	vld [tilespmem:s29+$0x40]  }
0x124: {  	v5 =	vld [tilespmem:s29+$0x50];
	v0 =	vmul.f32 $8.000000000e+00, v0  }
0x125: {  	v6 =	vld [tilespmem:s29+$0x60];
	v1 =	vmul.f32 $8.000000000e+00, v1  }
0x126: {  	v7 =	vld [tilespmem:s29+$0x70];
	v2 =	vmul.f32 $8.000000000e+00, v2;
	[tilespmem:s29+$0x1F0] =	vst v0  }
0x127: {  	[tilespmem:s29+$0x10] =	vst v1;
	v0 =	vmul.f32 $8.000000000e+00, v3;
	v1 =	vld [tilespmem:s29+$0x80]  }
0x128: {  	[tilespmem:s29+$0x20] =	vst v2;
	v2 =	vmul.f32 $8.000000000e+00, v4;
	v3 =	vld [tilespmem:s29+$0x90]  }
0x129: {  	v4 =	vld [tilespmem:s29+$0xA0];
	[tilespmem:s29+$0x30] =	vst v0;
	v0 =	vmul.f32 $8.000000000e+00, v5  }
0x12a: {  	[tilespmem:s29+$0x40] =	vst v2;
	v2 =	vmul.f32 $8.000000000e+00, v6;
	v5 =	vld [tilespmem:s29+$0xB0]  }
0x12b: {  	v6 =	vld [tilespmem:s29+$0xC0];
	[tilespmem:s29+$0x50] =	vst v0;
	v0 =	vmul.f32 $8.000000000e+00, v7  }
0x12c: {  	[tilespmem:s29+$0x60] =	vst v2;
	v2 =	vld [tilespmem:s29+$0xD0];
	v1 =	vmul.f32 $8.000000000e+00, v1  }
0x12d: {  	[tilespmem:s29+$0x70] =	vst v0;
	v0 =	vmul.f32 $8.000000000e+00, v3;
	v3 =	vld [tilespmem:s29+$0xE0]  }
0x12e: {  	[tilespmem:s29+$0x80] =	vst v1;
	v1 =	vmul.f32 $8.000000000e+00, v4;
	v4 =	vld [tilespmem:s29+$0xF0]  }
0x12f: {  	[tilespmem:s29+$0x90] =	vst v0;
	v0 =	vmul.f32 $8.000000000e+00, v5;
	v5 =	vld [tilespmem:s29+$0x100]  }
0x130: {  	[tilespmem:s29+$0xA0] =	vst v1;
	v1 =	vmul.f32 $8.000000000e+00, v6;
	v6 =	vld [tilespmem:s29+$0x110]  }
0x131: {  	[tilespmem:s29+$0xB0] =	vst v0;
	v0 =	vmul.f32 $8.000000000e+00, v2;
	v2 =	vld [tilespmem:s29+$0x120]  }
0x132: {  	[tilespmem:s29+$0xC0] =	vst v1;
	v1 =	vmul.f32 $8.000000000e+00, v3;
	v3 =	vld [tilespmem:s29+$0x130]  }
0x133: {  	[tilespmem:s29+$0xD0] =	vst v0;
	v0 =	vmul.f32 $8.000000000e+00, v4;
	v4 =	vld [tilespmem:s29+$0x140]  }
0x134: {  	[tilespmem:s29+$0xE0] =	vst v1;
	v1 =	vmul.f32 $8.000000000e+00, v5;
	v5 =	vld [tilespmem:s29+$0x150]  }
0x135: {  	[tilespmem:s29+$0xF0] =	vst v0;
	v0 =	vmul.f32 $8.000000000e+00, v6;
	v6 =	vld [tilespmem:s29+$0x160]  }
0x136: {  	[tilespmem:s29+$0x100] =	vst v1;
	v1 =	vmul.f32 $8.000000000e+00, v2;
	v2 =	vld [tilespmem:s29+$0x170]  }
0x137: {  	[tilespmem:s29+$0x110] =	vst v0;
	v0 =	vmul.f32 $8.000000000e+00, v3;
	v3 =	vld [tilespmem:s29+$0x180]  }
0x138: {  	v7 =	vld [tilespmem:s29+$0x190];
	[tilespmem:s29+$0x120] =	vst v1;
	v1 =	vmul.f32 $8.000000000e+00, v4  }
0x139: {  	v8 =	vld [tilespmem:s29+$0x1A0];
	[tilespmem:s29+$0x130] =	vst v0;
	v4 =	vmul.f32 $8.000000000e+00, v5  }
0x13a: {  	v0 =	vld [tilespmem:s29+$0x1B0];
	[tilespmem:s29+$0x140] =	vst v1;
	v5 =	vmul.f32 $8.000000000e+00, v6  }
0x13b: {  	v1 =	vld [tilespmem:s29+$0x1C0];
	[tilespmem:s29+$0x150] =	vst v4;
	v2 =	vmul.f32 $8.000000000e+00, v2  }
0x13c: {  	v4 =	vld [tilespmem:s29+$0x1D0];
	[tilespmem:s29+$0x160] =	vst v5;
	v6 =	vmul.f32 $8.000000000e+00, v3  }
0x13d: {  	v5 =	vmul.f32 $8.000000000e+00, v7;
	[tilespmem:s29+$0x170] =	vst v2;
	v2 =	vld [tilespmem:s29+$0x1E0]  }
0x13e: {  	s1 =	simm.s32 $0xFC00;
	s30 =	simm.s32 $0x0;
	v3 =	vld [tilespmem:s29+$0x0];
	[tilespmem:s29+$0x180] =	vst v6;
	v6 =	vmul.f32 $8.000000000e+00, v8  }
.LBB2_9:
0x13f: {  	v7 =	vld [tilespmem:s1+$0x1F0];
	s30 =	sadd.s32 $0x8, s30;
	[tilespmem:s29+$0x190] =	vst v5;
	v0 =	vmul.f32 $8.000000000e+00, v0  }
0x140: {  	v5 =	vld [tilespmem:s1+$0x10];
	p0 =	slt.u32 s30, $0xC0;
	[tilespmem:s29+$0x1A0] =	vst v6;
	v1 =	vmul.f32 $8.000000000e+00, v1  }
0x141: {  	v6 =	vld [tilespmem:s1+$0x20];
	[tilespmem:s29+$0x1B0] =	vst v0;
	v0 =	vmul.f32 $8.000000000e+00, v4  }
0x142: {  	v4 =	vld [tilespmem:s1+$0x30];
	[tilespmem:s29+$0x1C0] =	vst v1;
	v1 =	vmul.f32 $8.000000000e+00, v2  }
0x143: {  	v2 =	vld [tilespmem:s1+$0x40];
	v3 =	vmul.f32 $8.000000000e+00, v3;
	[tilespmem:s29+$0x1D0] =	vst v0  }
0x144: {  	v0 =	vld [tilespmem:s1+$0x50];
	v7 =	vmul.f32 $8.000000000e+00, v7;
	[tilespmem:s29+$0x1E0] =	vst v1  }
0x145: {  	v1 =	vmul.f32 $8.000000000e+00, v5;
	v5 =	vld [tilespmem:s1+$0x60];
	[tilespmem:s29+$0x0] =	vst v3;
	s29 =	smov.u32 s1  }
0x146: {  	v3 =	vmul.f32 $8.000000000e+00, v6;
	v6 =	vld [tilespmem:s1+$0x70];
	[tilespmem:s1+$0x1F0] =	vst v7  }
0x147: {  	[tilespmem:s1+$0x10] =	vst v1;
	v1 =	vmul.f32 $8.000000000e+00, v4;
	v4 =	vld [tilespmem:s1+$0x80]  }
0x148: {  	[tilespmem:s1+$0x20] =	vst v3;
	v2 =	vmul.f32 $8.000000000e+00, v2;
	v3 =	vld [tilespmem:s1+$0x90]  }
0x149: {  	[tilespmem:s1+$0x30] =	vst v1;
	v0 =	vmul.f32 $8.000000000e+00, v0;
	v1 =	vld [tilespmem:s1+$0xA0]  }
0x14a: {  	[tilespmem:s1+$0x40] =	vst v2;
	v2 =	vmul.f32 $8.000000000e+00, v5;
	v5 =	vld [tilespmem:s1+$0xB0]  }
0x14b: {  	[tilespmem:s1+$0x50] =	vst v0;
	v0 =	vmul.f32 $8.000000000e+00, v6;
	v6 =	vld [tilespmem:s1+$0xC0]  }
0x14c: {  	[tilespmem:s1+$0x60] =	vst v2;
	v2 =	vmul.f32 $8.000000000e+00, v4;
	v4 =	vld [tilespmem:s1+$0xD0]  }
0x14d: {  	[tilespmem:s1+$0x70] =	vst v0;
	v0 =	vmul.f32 $8.000000000e+00, v3;
	v3 =	vld [tilespmem:s1+$0xE0]  }
0x14e: {  	[tilespmem:s1+$0x80] =	vst v2;
	v1 =	vmul.f32 $8.000000000e+00, v1;
	v2 =	vld [tilespmem:s1+$0xF0]  }
0x14f: {  	[tilespmem:s1+$0x90] =	vst v0;
	v0 =	vmul.f32 $8.000000000e+00, v5;
	v5 =	vld [tilespmem:s1+$0x100]  }
0x150: {  	[tilespmem:s1+$0xA0] =	vst v1;
	v1 =	vmul.f32 $8.000000000e+00, v6;
	v6 =	vld [tilespmem:s1+$0x110]  }
0x151: {  	[tilespmem:s1+$0xB0] =	vst v0;
	v0 =	vmul.f32 $8.000000000e+00, v4;
	v4 =	vld [tilespmem:s1+$0x120]  }
0x152: {  	[tilespmem:s1+$0xC0] =	vst v1;
	v1 =	vmul.f32 $8.000000000e+00, v3;
	v3 =	vld [tilespmem:s1+$0x130]  }
0x153: {  	[tilespmem:s1+$0xD0] =	vst v0;
	v0 =	vmul.f32 $8.000000000e+00, v2;
	v2 =	vld [tilespmem:s1+$0x140]  }
0x154: {  	[tilespmem:s1+$0xE0] =	vst v1;
	v1 =	vmul.f32 $8.000000000e+00, v5;
	v5 =	vld [tilespmem:s1+$0x150]  }
0x155: {  	[tilespmem:s1+$0xF0] =	vst v0;
	v0 =	vmul.f32 $8.000000000e+00, v6;
	v6 =	vld [tilespmem:s1+$0x160]  }
0x156: {  	[tilespmem:s1+$0x100] =	vst v1;
	v1 =	vmul.f32 $8.000000000e+00, v4;
	v4 =	vld [tilespmem:s1+$0x170]  }
0x157: {  	[tilespmem:s1+$0x110] =	vst v0;
	v0 =	vmul.f32 $8.000000000e+00, v3;
	v3 =	vld [tilespmem:s1+$0x180]  }
0x158: {  	[tilespmem:s1+$0x120] =	vst v1;
	v1 =	vmul.f32 $8.000000000e+00, v2;
	v2 =	vld [tilespmem:s1+$0x190]  }
0x159: {  	[tilespmem:s1+$0x130] =	vst v0;
	v5 =	vmul.f32 $8.000000000e+00, v5;
	v7 =	vld [tilespmem:s1+$0x1A0]  }
.Ltmp3:
0x15a: {  	[tilespmem:s1+$0x140] =	vst v1;
	v6 =	vmul.f32 $8.000000000e+00, v6;
	v0 =	vld [tilespmem:s1+$0x1B0];
	(pc) =	sbr.rel @p0 .LBB2_9-.Ltmp3, $4  }
0x15b: {  	[tilespmem:s1+$0x150] =	vst v5;
	v5 =	vmul.f32 $8.000000000e+00, v4;
	v1 =	vld [tilespmem:s1+$0x1C0]  }
0x15c: {  	[tilespmem:s1+$0x160] =	vst v6;
	v6 =	vmul.f32 $8.000000000e+00, v3;
	v4 =	vld [tilespmem:s1+$0x1D0]  }
0x15d: {  	[tilespmem:s1+$0x170] =	vst v5;
	v5 =	vmul.f32 $8.000000000e+00, v2;
	v2 =	vld [tilespmem:s1+$0x1E0]  }
0x15e: {  	s1 =	sadd.s32 $0x200, s1;
	v3 =	vld [tilespmem:s29+$0x0];
	[tilespmem:s29+$0x180] =	vst v6;
	v6 =	vmul.f32 $8.000000000e+00, v7  }
0x15f: {  	[tilespmem:s29+$0x190] =	vst v5;
	v0 =	vmul.f32 $8.000000000e+00, v0  }
0x160: {  	s26 =	sadd.s32 $0x1, s26;
	[tilespmem:s29+$0x1A0] =	vst v6;
	v1 =	vmul.f32 $8.000000000e+00, v1  }
0x161: {  	s0 =	sshll.u32 s28, $0x1;
	p0 =	sne.s32 s26, $0x20;
	[tilespmem:s29+$0x1B0] =	vst v0;
	v61 =	vmul.f32 $8.000000000e+00, v4  }
.Ltmp4:
0x162: {  	s0 =	sadd.s32 s3, s0;
	[tilespmem:s29+$0x1C0] =	vst v1;
	v62 =	vmul.f32 $8.000000000e+00, v2;
	(pc) =	sbr.rel @p0 .LBB2_2-.Ltmp4, $4  }
0x163: {  	s0 =	smul.u32 $0x640, s0;
	v63 =	vmul.f32 $8.000000000e+00, v3;
	[tilespmem:s29+$0x1D0] =	vst v61  }
0x164: {  	[tilespmem:s29+$0x1E0] =	vst v62  }
0x165: {  	s0 =	sadd.s32 s2, s0;
	[tilespmem:s29+$0x0] =	vst v63  }
0x166: {  	[hbm4b:s0+s4] =	stream.linear.scatter [tilespmem:s17], [sflag:$0x4], $0x6400, $0x38;
	[tilespmem:$0x12C00] =	vst v63  }
0x167: {  	s25 =	sadd.s32 $0x1, s25  }
0x168: {  	_ =	swait.ge [sflag:s23], $0x6400;
	p0 =	sne.s32 s25, s7  }
.Ltmp5:
0x169: {  	[sflag:s23] =	ssyncset.done $0x0;
	(pc) =	sbr.rel @p0 .LBB2_1-.Ltmp5, $4  }
0x16a: {  	[sflag:s23] =	ssyncadd.s32 $0xFFFF9C00  }
0x16b: {  	_ =	swait.ge [sflag:s24], $0x6400  }
0x16c: {  	[sflag:s24] =	ssyncset.done $0x0  }
0x16d: {  	[sflag:s24] =	ssyncadd.s32 $0xFFFF9C00  }
0x16e: {  	_ =	sfence.sel $0x180000  }
0x16f: {  	[bflag:$0x0] =	sbarrier.arrive $0xFFFF  }
0x170: {  	_ =	strace $0x90000047  }
0x171: {  	s0 =	stileid.u32;
	[bflag:$0x2] =	sbarrier.arrive $0xFFFF  }
0x172: {  	p0 =	sne.s32 s0, $0x0;
	s0 =	rddreg [dreg:$0x2]  }
0x173: {  	s0 =	sadd.s32 @!p0 $0x100000, s0  }
0x174: {  	[sflag:s0] =	ssyncadd.tile.s32 @!p0 $0x1;
	_ =	shalt  }
.Lfunc_end2:
_tile_overlayer_lowered:
.L_overlay_start_2:
0x175: {  	(tag) =	ssettag $0x2  }
0x176: {  	s0 =	rddreg [dreg:$0x0];
	s2 =	stileid.u32  }
0x177: {  	s1 =	rddreg [dreg:$0x1];
	p0 =	sne.s32 s2, $0x0  }
0x178: {  	s3 =	rddreg [dreg:$0x2];
	[bflag:$0x3] =	sbarrier.arrive $0xFFFF;
	s2 =	simm.s32 @!p0 $0x1C05  }
0x179: {  	[timem:s3], [sflag:s2] =	dma.local @!p0 [hbm:s0], s1  }
0x17a: {  	s0 =	simm.s32 @!p0 $0x5  }
0x17b: {  	_ =	swait.ge @!p0 [sflag:s0], s1  }
0x17c: {  	s1 =	ssub.s32 @!p0 $0x0, s1;
	[sflag:s0] =	ssyncset.done @!p0 $0x0  }
0x17d: {  	[sflag:s0] =	ssyncadd.s32 @!p0 s1  }
0x17e: {  	[bflag:$0x3] =	sbarrier.arrive $0xFFFF  }
0x17f: {  	_ =	shalt  }

// kernel: sparse-core-data-format-call.cloned.1.call-start
scs
called_computation_lowered:
.L_overlay_start_0:
0x0: {  	s2 =	sld [smem:$0x3FD9]  }
0x1: {  	s3 =	sld [smem:$0x3FFE];
	_ =	sdelay $0x1  }
0x2: {  	s1 =	srdreg.scid  }
0x3: {  	s0 =	sand.u32 $0x1, s1  }
0x4: {  	s18 =	sshll.u32 s0, $0xA;
	s2 =	sadd.s32 s3, s2  }
0x5: {  	s2 =	sadd.s32 s2, s18  }
0x6: {  	[smem:$0x3FC6] =	sst s2  }
0x7: {  	_ = 	snop  }
0x8: {  	s2 =	sld [smem:$0x3FD0];
	(tm) =	ssettm $0x1  }
0x9: {  	s19 =	sld [smem:$0x3FFB];
	_ =	sdelay $0x3  }
0xa: {  	_ =	strace s19  }
0xb: {  	s3 =	sld [smem:$0x3FFC];
	_ =	sdelay $0x3  }
0xc: {  	_ =	strace s3  }
0xd: {  	s3 =	sld [smem:$0x3FFD];
	_ =	sdelay $0x3  }
0xe: {  	_ =	strace s3  }
0xf: {  	_ =	strace $0x8FFFFFFF  }
0x10: {  	s20 =	sld [smem:$0x3FDB];
	_ =	sdelay $0x1  }
0x11: {  	s4 =	simm.s32 $_scs_section_size  }
0x12: {  	s5 =	simm.s32 $_size__tile_overlayer_lowered;
	s6 =	simm.s32 $_tile_overlayer_lowered  }
0x13: {  	s23 =	simm.s32 $0x1BFF;
	s22 =	sshll.u32 s6, $0x1;
	s3 =	sadd.s32 s4, s20  }
0x14: {  	s7 =	simm.s32 $0x0;
	s21 =	sshll.u32 s5, $0x1;
	s5 =	sadd.s32 s22, s3  }
0x15: {  	[timem:s7], [sflag:s23] =	dma.local [hbm:s5], s21  }
0x16: {  	_ =	swait.ge [sflag:s23], s21  }
0x17: {  	s4 =	ssub.s32 $0x0, s21;
	[sflag:s23] =	ssyncset.done $0x0  }
0x18: {  	[sflag:s23] =	ssyncadd.s32 s4;
	_ =	sdelay $0x1  }
0x19: {  	s24 =	simm.s32 $0x1B8B  }
0x1a: {  	_ =	swait.ge [sflag:s24], $0x1  }
0x1b: {  	[sflag:s24] =	ssyncset.done $0x0  }
0x1c: {  	s26 =	simm.s32 $0x1B8E;
	s25 =	sld [smem:$0x3FFE];
	[sflag:s24] =	ssyncadd.s32 $0xFFFFFFFF  }
0x1d: {  	s27 =	simm.s32 $execute0_lowered;
	[smem:$0x3FD2] =	sst s26  }
0x1e: {  	s5 =	sshll.u32 s27, $0x1;
	_ =	strace $0x80000049;
	[dreg:$0x1] =	wrdreg $0xFFFFFFFF  }
0x1f: {  	s28 =	simm.s32 $_size_execute0_lowered;
	s3 =	sadd.s32 s3, s5;
	[dreg:$0x0] =	wrdreg $0x0  }
0x20: {  	s5 =	sshll.u32 s28, $0x1;
	[dreg:$0x2] =	wrdreg s3  }
0x21: {  	[dreg:$0x3] =	wrdreg s5  }
0x22: {  	[dreg:$0x4] =	wrdreg $0xC0  }
0x23: {  	_ =	task [dreg:s7], $0x5FFFF  }
0x24: {  	[dreg:$0x1] =	wrdreg $0xFFFFFFFF  }
0x25: {  	[dreg:$0x0] =	wrdreg $0x60  }
0x26: {  	[dreg:$0x2] =	wrdreg s25  }
0x27: {  	[dreg:$0x3] =	wrdreg s2  }
0x28: {  	[dreg:$0x4] =	wrdreg $0x9  }
0x29: {  	_ =	task.clear_ibuf [dreg:s7], $0x5FFFF;
	_ =	strace $0x90000049  }
0x2a: {  	s29 =	simm.s32 $0x9;
	_ =	strace $0x8000004B  }
0x2b: {  	_ =	swait.ge [sflag:s29], $0x1  }
0x2c: {  	[sflag:s29] =	ssyncadd.s32 $0xFFFFFFFF  }
0x2d: {  	_ =	strace $0x9000004B  }
0x2e: {  	_ =	sfence  }
0x2f: {  	s30 =	sld [smem:$0x0];
	_ =	sdelay $0x2  }
0x30: {  	s31 =	sshll.u32 s1, $0xD;
	s1 =	sshrl.u32 s1, $0x2  }
0x31: {  	s3 =	sand.u32 $0x4000, s31;
	s1 =	sadd.s32 s1, s30  }
0x32: {  	s0 =	sor.u32 s3, s0;
	s1 =	sshll.u32 s1, $0x11  }
0x33: {  	s0 =	sor.u32 s1, s0  }
0x34: {  	s0 =	sadd.s32 $0x8F2B, s0  }
0x35: {  	[sflag:s0] =	ssyncadd.remote.s32 $0x1  }
0x36: {  	_ =	sfence.sel $0xFFFF  }
0x37: {  	[dreg:$0x0] =	wrdreg $0xFFFFFFFF;
	(pc) =	sbr.abs _section_cstart, $3  }
0x38: {  	[dreg:$0x1] =	wrdreg $0xFFFFFFFF  }
0x39: {  	_ =	task.clear_ibuf [dreg:s7], $0x2FFFF;
	_ =	strace $0x9FFFFFFF  }
0x3a: {  	(tm) =	ssettm $0x7FFFFFFF  }
0x3b: {  	_ =	shalt  }
tec
execute0_lowered:
.L_overlay_start_1:
0x0: {  	(tag) =	ssettag $0x1  }
0x1: {  	s0 =	srdreg.scid  }
0x2: {  	s1 =	sshll.u32 s0, $0x4  }
0x3: {  	s0 =	stileid.u32;
	s1 =	sand.u32 $0x10, s1  }
0x4: {  	s1 =	sor.u32 s0, s1  }
0x5: {  	s6 =	rddreg [dreg:$0x0];
	s4 =	simm.s32 $0x1;
	s2 =	sshll.u32 s1, $0x7  }
0x6: {  	s7 =	simm.s32 $0x2;
	s12 =	simm.s32 $0x0;
	s1 =	ssub.s32 $0x1000, s2  }
0x7: {  	s8 =	simm.s32 $0x8000;
	s13 =	simm.s32 $0x0;
	s3 =	sand.u32 $0xF80, s1  }
0x8: {  	s9 =	simm.s32 $0x0;
	s5 =	sshrl.u32 s1, $0xC;
	p0 =	sne.s32 s3, $0x0  }
.Ltmp0:
0x9: {  	s1 =	rddreg [dreg:$0x2];
	s4 =	simm.s32 @!p0 $0x0;
	(pc) =	sbr.rel .LBB1_1-.Ltmp0, $4  }
0xa: {  	s11 =	simm.s32 $0x0;
	s3 =	rddreg [dreg:$0x1];
	s5 =	sadd.s32 s4, s5  }
0xb: {  	_ =	strace $0x8000004A;
	s4 =	simm.s32 $0x1;
	s5 =	smul.u32 $0xC8, s5  }
0xc: {  	s6 =	sadd.s32 $0xA00, s6;
	s10 =	smov.u32 s2;
	[sflag:s4] =	ssyncpa.u1 $0x0  }
0xd: {  	p0 =	por $0x0, $0x0;
	[sflag:s7] =	ssyncpa.u1 $0x0;
	s7 =	sor.u32 $0x1, s5  }
.LBB1_4:
0xe: {  	s16 =	sshll.u32 s13, $0x3;
	s17 =	sand.u32 $0x78, s13  }
0xf: {  	s30 =	sand.u32 $0x7E00, s13;
	s12 =	sshll.u32 s12, $0xF;
	s16 =	sand.u32 $0xC00, s16  }
0x10: {  	[tilespmem:s15+$0x810 ss:$0x81] =	vst.msk $0xffff, v2;
	s31 =	sand.u32 $0x7, s13;
	s16 =	sor.u32 s17, s16;
	s17 =	sadd.s32 s3, s30  }
0x11: {  	[tilespmem:s15+$0x1020 ss:$0x81] =	vst.msk $0xffff, v0;
	s13 =	sshll.u32 s31, $0x12;
	s12 =	sadd.s32 s12, s17;
	s16 =	sshrl.u32 s16, $0x3  }
0x12: {  	[tilespmem:s15+$0x0 ss:$0x81] =	vst.msk $0xffff, v1;
	s13 =	sor.u32 $0x400, s13;
	s12 =	sadd.s32 s16, s12  }
0x13: {  	[hbm4b:s12+s13] =	stream.strided.scatter [tilespmem:s14], [sflag:$0x2], $0x2000, s8, s13, $0x20;
	[tilespmem:$0x8080] =	vst v63  }
.LBB1_5:
0x14: {  	s14 =	sadd.s32 $0x1, s9  }
0x15: {  	s12 =	sadd.s32 $0x1000, s10;
	s16 =	smov.u32 s10;
	p2 =	sgt.s32 s14, $0xC7  }
0x16: {  	s16 =	smov.u32 @p2 s12  }
0x17: {  	s14 =	simm.s32 @p2 $0x0;
	p2 =	sgt.s32 s16, $0xFFF  }
0x18: {  	s16 =	smov.u32 @p2 s2;
	p2 =	sne.s32 s11, s7  }
.Ltmp1:
0x19: {  	p1 =	slt.u32 s11, $0x2;
	(pc) =	sbr.rel @!p2 .LBB1_6-.Ltmp1, $4  }
0x1a: {  	s15 =	simm.s32 @!p1 $0x2  }
0x1b: {  	s13 =	smov.u32 s10;
	p0 =	por !p0, !p0;
	_ =	swait.ge @!p1 [sflag:s15], $0x2000  }
0x1c: {  	s12 =	smov.u32 s9;
	[sflag:s15] =	ssyncset.done @!p1 $0x0;
	s9 =	smov.u32 s14  }
0x1d: {  	s11 =	sadd.s32 $0x1, s11;
	[sflag:s15] =	ssyncadd.s32 @!p1 $0xFFFFE000;
	s10 =	smov.u32 s16  }
.LBB1_1:
0x1e: {  	p1 =	sge.u32 s11, s5  }
0x1f: {  	s14 =	sand.u32 @!p1 $0x1FFFFFF, s9  }
0x20: {  	s15 =	smulhi.u32 @!p1 $0x147AE15, s14;
	_ =	sdelay $0x1  }
0x21: {  	s15 =	smul.u32 @!p1 $0xC8, s15  }
0x22: {  	s16 =	sxor.u32 @!p1 $0xFFFFFFFF, s11;
	s17 =	smul.u32 @!p1 $0xC80, s10  }
0x23: {  	s31 =	sadd.s32 $0xFFFFFFFF, s11;
	s16 =	sshll.u32 @!p1 s16, $0xD;
	s14 =	ssub.s32 @!p1 s14, s15  }
0x24: {  	s15 =	sand.u32 @!p1 $0x2000, s16;
	s16 =	sadd.s32 @!p1 s6, s17;
	s14 =	sshll.u32 @!p1 s14, $0x4  }
0x25: {  	s17 =	simm.s32 @!p1 $0x6400;
	s14 =	sadd.s32 @!p1 s14, s16;
	s16 =	simm.s32 @!p1 $0x40  }
0x26: {  	[tilespmem:s15], [sflag:$0x1] =	stream.strided.gather @!p1 [hbm4b:s14+s16], $0x2000, s17, s16, $0x38;
	[tilespmem:$0x8080] =	vst v63  }
0x27: {  	p1 =	sge.u32 s31, s5  }
.Ltmp2:
0x28: {  	_ = 	snop;
	(pc) =	sbr.rel @p1 .LBB1_5-.Ltmp2, $1  }
0x29: {  	_ =	sdelay $0x3  }
0x2a: {  	s14 =	simm.s32 $0x1  }
0x2b: {  	_ =	swait.ge [sflag:s4], $0x2000;
	s14 =	simm.s32 @!p0 $0x0  }
0x2c: {  	[sflag:s4] =	ssyncset.done $0x0;
	s15 =	sshll.u32 s14, $0xD  }
0x2d: {  	[sflag:s4] =	ssyncadd.s32 $0xFFFFE000;
	s18 =	sor.u32 $0x20, s15  }
0x2e: {  	s14 =	smul.u32 $0x8100, s14;
	v3 =	vld [tilespmem:s18+$0x10]  }
0x2f: {  	s30 =	sand.u32 $0x1, s11;
	v2 =	vld [tilespmem:s18+$0xFFFFFFF0]  }
0x30: {  	s15 =	smul.u32 $0x8100, s30;
	s14 =	sshrl.u32 s14, $0x2;
	v0 =	vld [tilespmem:s18+$0x0]  }
0x31: {  	v1 =	vld [tilespmem:s18+$0xFFFFFFE0];
	s16 =	sor.u32 $0x4000, s14  }
0x32: {  	s31 =	sshrl.u32 s15, $0x2;
	s15 =	sadd.s32 $0x0, s16  }
0x33: {  	s17 =	simm.s32 $0x4;
	s18 =	sadd.s32 $0x40, s18;
	s14 =	sor.u32 $0x4000, s31;
	[tilespmem:s15+$0x1830 ss:$0x81] =	vst.msk $0xffff, v3  }
.LBB1_3:
0x34: {  	v3 =	vld [tilespmem:s18+$0x10];
	p1 =	sne.s32 s17, $0x1FC;
	[tilespmem:s15+$0x810 ss:$0x81] =	vst.msk $0xffff, v2;
	s19 =	smov.u32 s17;
	s17 =	sadd.s32 $0x4, s17  }
.Ltmp3:
0x35: {  	v2 =	vld [tilespmem:s18+$0xFFFFFFF0];
	[tilespmem:s15+$0x1020 ss:$0x81] =	vst.msk $0xffff, v0;
	(pc) =	sbr.rel @p1 .LBB1_3-.Ltmp3, $4  }
0x36: {  	v0 =	vld [tilespmem:s18+$0x0];
	[tilespmem:s15+$0x0 ss:$0x81] =	vst.msk $0xffff, v1  }
0x37: {  	s15 =	sshra.s32 s19, $0x2;
	v1 =	vld [tilespmem:s18+$0xFFFFFFE0]  }
0x38: {  	s15 =	sadd.s32 s15, s16  }
0x39: {  	s18 =	sadd.s32 $0x40, s18;
	[tilespmem:s15+$0x1830 ss:$0x81] =	vst.msk $0xffff, v3  }
.Ltmp4:
0x3a: {  	_ = 	snop;
	(pc) =	sbr.rel .LBB1_4-.Ltmp4, $1  }
0x3b: {  	_ =	sdelay $0x3  }
.LBB1_6:
0x3c: {  	_ =	sfence.sel $0x180000  }
0x3d: {  	s2 =	simm.s32 $0x1;
	[bflag:$0x0] =	sbarrier.arrive $0xFFFF  }
0x3e: {  	s31 =	simm.s32 $0x2;
	[sflag:s2] =	ssyncpa.u1 $0x1  }
0x3f: {  	[sflag:s31] =	ssyncpa.u1 $0x1  }
0x40: {  	p0 =	sne.s32 s0, $0x0;
	_ =	strace $0x9000004A  }
0x41: {  	s0 =	sadd.s32 @!p0 $0x100000, s1;
	[bflag:$0x2] =	sbarrier.arrive $0xFFFF  }
0x42: {  	[sflag:s0] =	ssyncadd.tile.s32 @!p0 $0x1;
	_ =	shalt  }
.Lfunc_end1:
_tile_overlayer_lowered:
.L_overlay_start_2:
0x43: {  	(tag) =	ssettag $0x2  }
0x44: {  	s0 =	rddreg [dreg:$0x0];
	s2 =	stileid.u32  }
0x45: {  	s1 =	rddreg [dreg:$0x1];
	p0 =	sne.s32 s2, $0x0  }
0x46: {  	s3 =	rddreg [dreg:$0x2];
	[bflag:$0x3] =	sbarrier.arrive $0xFFFF;
	s2 =	simm.s32 @!p0 $0x1C01  }
0x47: {  	[timem:s3], [sflag:s2] =	dma.local @!p0 [hbm:s0], s1  }
0x48: {  	s0 =	simm.s32 @!p0 $0x1  }
0x49: {  	_ =	swait.ge @!p0 [sflag:s0], s1  }
0x4a: {  	s1 =	ssub.s32 @!p0 $0x0, s1;
	[sflag:s0] =	ssyncset.done @!p0 $0x0  }
0x4b: {  	[sflag:s0] =	ssyncadd.s32 @!p0 s1  }
0x4c: {  	[bflag:$0x3] =	sbarrier.arrive $0xFFFF  }
0x4d: {  	_ =	shalt  }

</sc_bundles>
